<compile_context>
chip_gen: v7x
topology: tpu7x:2x2x1
jax: 0.10.2.dev20260603
libtpu: 0.0.44.dev20260713+nightly
codegen_flags: <defaults>
</compile_context>

<pallas_src>
import jax
import jax.numpy as jnp
from jax.experimental import pallas as pl
from jax.experimental.pallas import tpu as pltpu

_FSIM_WEIGHT = 0.5
_EPS = 1e-8
_W = 256


def _sim_mask_body(qf, kf, qs, ks, qfn, kfn, qsn, ksn, em,
                   s_out, r_out, spt_out, rpt_out):
    bq = s_out.shape[0]
    bn = s_out.shape[1]
    dotf = jax.lax.dot_general(qf[...], kf[...], (((1,), (1,)), ((), ())),
                               preferred_element_type=jnp.float32)
    dots = jax.lax.dot_general(qs[...], ks[...], (((1,), (1,)), ((), ())),
                               preferred_element_type=jnp.float32)
    f_sim = dotf / jnp.maximum(qfn[...] * kfn[...], _EPS)
    s_sim = dots / jnp.maximum(qsn[...] * ksn[...], _EPS)
    sim = _FSIM_WEIGHT * f_sim + (1.0 - _FSIM_WEIGHT) * s_sim

    bi = pl.program_id(0)
    bj = pl.program_id(1)
    gr = bi * bq + jax.lax.broadcasted_iota(jnp.int32, (bq, bn), 0)
    gc = bj * bn + jax.lax.broadcasted_iota(jnp.int32, (bq, bn), 1)
    dm = (gr == gc).astype(jnp.float32)
    emf = (em[...] > 0.0).astype(jnp.float32)
    s_val = sim + (emf + dm) * -99.0
    r_val = sim + (1.0 - emf) * 99.0
    s_out[...] = s_val
    r_out[...] = r_val

    sp = jnp.concatenate(
        [jnp.max(s_val[:, w * _W:(w + 1) * _W], axis=1, keepdims=True)
         for w in range(bn // _W)], axis=1)
    rp = jnp.concatenate(
        [jnp.min(r_val[:, w * _W:(w + 1) * _W], axis=1, keepdims=True)
         for w in range(bn // _W)], axis=1)
    spt_out[...] = sp.T
    rpt_out[...] = rp.T


def _masked_sims(emb_F, emb_S, edge_mask_u8, bq=256, bn=2048):
    q = edge_mask_u8.shape[0]
    n, d = emb_F.shape
    grid = (q // bq, n // bn)

    qfn = jnp.linalg.norm(emb_F[:q], axis=1, keepdims=True)
    kfn = jnp.linalg.norm(emb_F, axis=1, keepdims=True).reshape(1, n)
    qsn = jnp.linalg.norm(emb_S[:q], axis=1, keepdims=True)
    ksn = jnp.linalg.norm(emb_S, axis=1, keepdims=True).reshape(1, n)

    return pl.pallas_call(
        _sim_mask_body,
        grid=grid,
        in_specs=[
            pl.BlockSpec((bq, d), lambda i, j: (i, 0)),
            pl.BlockSpec((bn, d), lambda i, j: (j, 0)),
            pl.BlockSpec((bq, d), lambda i, j: (i, 0)),
            pl.BlockSpec((bn, d), lambda i, j: (j, 0)),
            pl.BlockSpec((bq, 1), lambda i, j: (i, 0)),
            pl.BlockSpec((1, bn), lambda i, j: (0, j)),
            pl.BlockSpec((bq, 1), lambda i, j: (i, 0)),
            pl.BlockSpec((1, bn), lambda i, j: (0, j)),
            pl.BlockSpec((bq, bn), lambda i, j: (i, j)),
        ],
        out_specs=[
            pl.BlockSpec((bq, bn), lambda i, j: (i, j)),
            pl.BlockSpec((bq, bn), lambda i, j: (i, j)),
            pl.BlockSpec((bn // _W, bq), lambda i, j: (j, i)),
            pl.BlockSpec((bn // _W, bq), lambda i, j: (j, i)),
        ],
        out_shape=[
            jax.ShapeDtypeStruct((q, n), jnp.float32),
            jax.ShapeDtypeStruct((q, n), jnp.float32),
            jax.ShapeDtypeStruct((n // _W, q), jnp.float32),
            jax.ShapeDtypeStruct((n // _W, q), jnp.float32),
        ],
    )(emb_F[:q], emb_F, emb_S[:q], emb_S, qfn, kfn, qsn, ksn, edge_mask_u8)


def _windowed_topk(flat, win_idx, k, n, neg=False):
    win_sorted = jnp.sort(win_idx)
    gidx = win_sorted[:, None] * _W + jnp.arange(_W, dtype=jnp.int32)[None, :]
    cand = jnp.take(flat, gidx.reshape(-1), axis=0)
    if neg:
        cand = -cand
    vals, ci = jax.lax.top_k(cand, k)
    flat_idx = gidx.reshape(-1)[ci]
    inds = jnp.stack([flat_idx // n, flat_idx % n], axis=1)
    return vals, inds


def kernel(emb_F, emb_S, edge_index):
    n, d = emb_F.shape
    q = n // 8
    add_num = 1024
    rm_num = 1024

    row = edge_index[0]
    col = edge_index[1]
    flat_key = jnp.where(row < q, row * n + col, q * n)
    edge_cnt = jnp.zeros((q * n,), dtype=jnp.float32).at[flat_key].add(
        1.0, mode='drop').reshape(q, n)

    s_arr, r_arr, spt, rpt = _masked_sims(emb_F, emb_S, edge_cnt)

    nw = n // _W
    _, ps = jax.lax.top_k(spt.reshape(-1), add_num)
    win_s = (ps % q) * nw + (ps // q)
    add_vals, add_inds = _windowed_topk(s_arr.reshape(-1), win_s, add_num, n)

    _, pr = jax.lax.top_k(-rpt.reshape(-1), rm_num)
    win_r = (pr % q) * nw + (pr // q)
    neg_vals, rm_inds = _windowed_topk(
        r_arr.reshape(-1), win_r, rm_num, n, neg=True)
    rm_vals = -neg_vals
    return add_vals, add_inds, rm_vals, rm_inds

# --- scband reference (transcript-rebuilt; emitter-appended) ---
"""Pipeline reference for scband-gsr-7971459301537 (READ-ONLY COPY).

The authoritative reference and input builder live on the scoring server;
editing this copy changes nothing except your own understanding.
"""

import jax, jax.numpy as jnp
import numpy as np

N = 16384
D = 256
E = 262144
Q = 2048
ADD_NUM = 1024
RM_NUM = 1024
FSIM_WEIGHT = 0.5
EPS = 1e-8


def setup_inputs(seed: int = 0) -> dict:
    key = jax.random.key(seed)
    k1, k2, k3 = jax.random.split(key, 3)
    emb_F = jax.random.normal(k1, (N, D), dtype=jnp.float32)
    emb_S = jax.random.normal(k2, (N, D), dtype=jnp.float32)
    edge_index = jax.random.randint(k3, (2, E), 0, N, dtype=jnp.int32)
    return {"emb_F": emb_F, "emb_S": emb_S, "edge_index": edge_index}


def cosine_sim(x1, x2):
    # faithful port of cosine_sim_torch
    w1 = jnp.linalg.norm(x1, axis=1, keepdims=True)
    w2 = jnp.linalg.norm(x2, axis=1, keepdims=True)
    denom = jnp.maximum(w1 * w2.T, EPS)
    return (x1 @ x2.T) / denom


def reference(emb_F, emb_S, edge_index):
    # One batch of scalable_graph_refine: queries = nodes[0:Q], keys = all N nodes.
    f_sim = cosine_sim(emb_F[:Q], emb_F)
    s_sim = cosine_sim(emb_S[:Q], emb_S)
    sim = FSIM_WEIGHT * f_sim + (1.0 - FSIM_WEIGHT) * s_sim

    row = edge_index[0]
    col = edge_index[1]
    # only edges whose source node falls in the query batch are masked;
    # out-of-batch rows are redirected to index Q and dropped.
    row_safe = jnp.where(row < Q, row, Q)
    edge_mask = jnp.zeros((Q, N), dtype=jnp.float32).at[row_safe, col].set(1.0, mode='drop')
    diag = jnp.arange(Q)
    diag_mask = jnp.zeros((Q, N), dtype=jnp.float32).at[diag, diag].set(1.0)

    add_mask = (edge_mask + diag_mask) * -99.0   # exclude existing edges + self-loops from additions
    rm_mask = (1.0 - edge_mask) * 99.0           # only existing edges are removal candidates

    flat_add = (sim + add_mask).reshape(-1)
    flat_rm = (sim + rm_mask).reshape(-1)

    add_vals, add_idx = jax.lax.top_k(flat_add, ADD_NUM)                 # largest=True
    neg_vals, rm_idx = jax.lax.top_k(-flat_rm, RM_NUM)                   # largest=False via negation
    rm_vals = -neg_vals

    add_inds = jnp.stack([add_idx // N, add_idx % N], axis=1)            # unravel_index, row_start_id = 0
    rm_inds = jnp.stack([rm_idx // N, rm_idx % N], axis=1)
    return add_vals, add_inds, rm_vals, rm_inds

if __name__ == "__main__":
    import jax
    _d = setup_inputs()
    print(jax.jit(kernel)(*tuple(_d.values())))

</pallas_src>

<mosaic_0001>
module attributes {stable_mosaic.version = 14 : i64} {
  func.func @_sim_mask_body(%arg0: i32, %arg1: i32, %arg2: memref<256x256xf32, #tpu.memory_space<vmem>>, %arg3: memref<2048x256xf32, #tpu.memory_space<vmem>>, %arg4: memref<256x256xf32, #tpu.memory_space<vmem>>, %arg5: memref<2048x256xf32, #tpu.memory_space<vmem>>, %arg6: memref<256x1xf32, #tpu.memory_space<vmem>>, %arg7: memref<1x2048xf32, #tpu.memory_space<vmem>>, %arg8: memref<256x1xf32, #tpu.memory_space<vmem>>, %arg9: memref<1x2048xf32, #tpu.memory_space<vmem>>, %arg10: memref<256x2048xf32, #tpu.memory_space<vmem>>, %arg11: memref<256x2048xf32, #tpu.memory_space<vmem>>, %arg12: memref<256x2048xf32, #tpu.memory_space<vmem>>, %arg13: memref<8x256xf32, #tpu.memory_space<vmem>>, %arg14: memref<8x256xf32, #tpu.memory_space<vmem>>) attributes {dimension_semantics = [#tpu.dimension_semantics<arbitrary>, #tpu.dimension_semantics<arbitrary>], iteration_bounds = array<i64: 8, 8>, scalar_prefetch = 0 : i64, scratch_operands = 0 : i64, tpu.core_type = #tpu.core_type<tc>, window_params = [{transform_indices = @transform_0, window_bounds = array<i64: 256, 256>}, {transform_indices = @transform_1, window_bounds = array<i64: 2048, 256>}, {transform_indices = @transform_2, window_bounds = array<i64: 256, 256>}, {transform_indices = @transform_3, window_bounds = array<i64: 2048, 256>}, {transform_indices = @transform_4, window_bounds = array<i64: 256, 1>}, {transform_indices = @transform_5, window_bounds = array<i64: 1, 2048>}, {transform_indices = @transform_6, window_bounds = array<i64: 256, 1>}, {transform_indices = @transform_7, window_bounds = array<i64: 1, 2048>}, {transform_indices = @transform_8, window_bounds = array<i64: 256, 2048>}, {transform_indices = @transform_9, window_bounds = array<i64: 256, 2048>}, {transform_indices = @transform_10, window_bounds = array<i64: 256, 2048>}, {transform_indices = @transform_11, window_bounds = array<i64: 8, 256>}, {transform_indices = @transform_12, window_bounds = array<i64: 8, 256>}]} {
    %get3A = arith.constant 0 : index
    %get3A_0 = arith.constant 0 : index
    %get3A_1 = vector.load %arg2[%get3A, %get3A_0] : memref<256x256xf32, #tpu.memory_space<vmem>>, vector<256x256xf32>
    %get3A_2 = arith.constant 0 : index
    %get3A_3 = arith.constant 0 : index
    %get3A_4 = vector.load %arg3[%get3A_2, %get3A_3] : memref<2048x256xf32, #tpu.memory_space<vmem>>, vector<2048x256xf32>
    %dot_general3A = arith.constant dense<0.000000e+00> : vector<256x2048xf32>
    %dot_general3A_5 = tpu.matmul %get3A_1, %get3A_4, %dot_general3A {dimension_numbers = #tpu.dot_dimension_numbers<[1], [1], [0], [0], [0, 0, 1, 0], [], []>, transpose_lhs_hint = false} : vector<256x256xf32>, vector<2048x256xf32>, vector<256x2048xf32> -> vector<256x2048xf32>
    %get3A_6 = arith.constant 0 : index
    %get3A_7 = arith.constant 0 : index
    %get3A_8 = vector.load %arg4[%get3A_6, %get3A_7] : memref<256x256xf32, #tpu.memory_space<vmem>>, vector<256x256xf32>
    %get3A_9 = arith.constant 0 : index
    %get3A_10 = arith.constant 0 : index
    %get3A_11 = vector.load %arg5[%get3A_9, %get3A_10] : memref<2048x256xf32, #tpu.memory_space<vmem>>, vector<2048x256xf32>
    %dot_general3A_12 = arith.constant dense<0.000000e+00> : vector<256x2048xf32>
    %dot_general3A_13 = tpu.matmul %get3A_8, %get3A_11, %dot_general3A_12 {dimension_numbers = #tpu.dot_dimension_numbers<[1], [1], [0], [0], [0, 0, 1, 0], [], []>, transpose_lhs_hint = false} : vector<256x256xf32>, vector<2048x256xf32>, vector<256x2048xf32> -> vector<256x2048xf32>
    %get3A_14 = arith.constant 0 : index
    %get3A_15 = arith.constant 0 : index
    %get3A_16 = vector.load %arg6[%get3A_14, %get3A_15] : memref<256x1xf32, #tpu.memory_space<vmem>>, vector<256x1xf32>
    %get3A_17 = arith.constant 0 : index
    %get3A_18 = arith.constant 0 : index
    %get3A_19 = vector.load %arg7[%get3A_17, %get3A_18] : memref<1x2048xf32, #tpu.memory_space<vmem>>, vector<1x2048xf32>
    %mul3A = vector.broadcast %get3A_16 : vector<256x1xf32> to vector<256x2048xf32>
    %mul3A_20 = vector.broadcast %get3A_19 : vector<1x2048xf32> to vector<256x2048xf32>
    %mul3A_21 = arith.mulf %mul3A, %mul3A_20 : vector<256x2048xf32>
    %max3A = arith.constant 9.99999993E-9 : f32
    %max3A_22 = vector.broadcast %max3A : f32 to vector<256x2048xf32>
    %max3A_23 = arith.maximumf %mul3A_21, %max3A_22 : vector<256x2048xf32>
    %div3A = arith.divf %dot_general3A_5, %max3A_23 : vector<256x2048xf32>
    %get3A_24 = arith.constant 0 : index
    %get3A_25 = arith.constant 0 : index
    %get3A_26 = vector.load %arg8[%get3A_24, %get3A_25] : memref<256x1xf32, #tpu.memory_space<vmem>>, vector<256x1xf32>
    %get3A_27 = arith.constant 0 : index
    %get3A_28 = arith.constant 0 : index
    %get3A_29 = vector.load %arg9[%get3A_27, %get3A_28] : memref<1x2048xf32, #tpu.memory_space<vmem>>, vector<1x2048xf32>
    %mul3A_30 = vector.broadcast %get3A_26 : vector<256x1xf32> to vector<256x2048xf32>
    %mul3A_31 = vector.broadcast %get3A_29 : vector<1x2048xf32> to vector<256x2048xf32>
    %mul3A_32 = arith.mulf %mul3A_30, %mul3A_31 : vector<256x2048xf32>
    %max3A_33 = arith.constant 9.99999993E-9 : f32
    %max3A_34 = vector.broadcast %max3A_33 : f32 to vector<256x2048xf32>
    %max3A_35 = arith.maximumf %mul3A_32, %max3A_34 : vector<256x2048xf32>
    %div3A_36 = arith.divf %dot_general3A_13, %max3A_35 : vector<256x2048xf32>
    %mul3A_37 = arith.constant 5.000000e-01 : f32
    %mul3A_38 = vector.broadcast %mul3A_37 : f32 to vector<256x2048xf32>
    %mul3A_39 = arith.mulf %mul3A_38, %div3A : vector<256x2048xf32>
    %mul3A_40 = arith.constant 5.000000e-01 : f32
    %mul3A_41 = vector.broadcast %mul3A_40 : f32 to vector<256x2048xf32>
    %mul3A_42 = arith.mulf %mul3A_41, %div3A_36 : vector<256x2048xf32>
    %add3A = arith.addf %mul3A_39, %mul3A_42 : vector<256x2048xf32>
    %mul3A_43 = arith.constant 256 : i32
    %mul3A_44 = arith.muli %arg0, %mul3A_43 : i32
    %iota3A = tpu.iota {dimensions = array<i32: 0>} : vector<256x2048xi32>
    %add3A_45 = vector.broadcast %mul3A_44 : i32 to vector<256x2048xi32>
    %add3A_46 = arith.addi %add3A_45, %iota3A : vector<256x2048xi32>
    %mul3A_47 = arith.constant 2048 : i32
    %mul3A_48 = arith.muli %arg1, %mul3A_47 : i32
    %iota3A_49 = tpu.iota {dimensions = array<i32: 1>} : vector<256x2048xi32>
    %add3A_50 = vector.broadcast %mul3A_48 : i32 to vector<256x2048xi32>
    %add3A_51 = arith.addi %add3A_50, %iota3A_49 : vector<256x2048xi32>
    %eq3A = arith.cmpi eq, %add3A_46, %add3A_51 : vector<256x2048xi32>
    %convert_element_type3A = arith.extui %eq3A : vector<256x2048xi1> to vector<256x2048xi32>
    %convert_element_type3A_52 = arith.sitofp %convert_element_type3A : vector<256x2048xi32> to vector<256x2048xf32>
    %get3A_53 = arith.constant 0 : index
    %get3A_54 = arith.constant 0 : index
    %get3A_55 = vector.load %arg10[%get3A_53, %get3A_54] : memref<256x2048xf32, #tpu.memory_space<vmem>>, vector<256x2048xf32>
    %gt3A = arith.constant 0.000000e+00 : f32
    %gt3A_56 = vector.broadcast %gt3A : f32 to vector<256x2048xf32>
    %gt3A_57 = arith.cmpf ogt, %get3A_55, %gt3A_56 : vector<256x2048xf32>
    %convert_element_type3A_58 = arith.extui %gt3A_57 : vector<256x2048xi1> to vector<256x2048xi32>
    %convert_element_type3A_59 = arith.sitofp %convert_element_type3A_58 : vector<256x2048xi32> to vector<256x2048xf32>
    %add3A_60 = arith.addf %convert_element_type3A_59, %convert_element_type3A_52 : vector<256x2048xf32>
    %mul3A_61 = arith.constant -9.900000e+01 : f32
    %mul3A_62 = vector.broadcast %mul3A_61 : f32 to vector<256x2048xf32>
    %mul3A_63 = arith.mulf %add3A_60, %mul3A_62 : vector<256x2048xf32>
    %add3A_64 = arith.addf %add3A, %mul3A_63 : vector<256x2048xf32>
    %sub3A = arith.constant 1.000000e+00 : f32
    %sub3A_65 = vector.broadcast %sub3A : f32 to vector<256x2048xf32>
    %sub3A_66 = arith.subf %sub3A_65, %convert_element_type3A_59 : vector<256x2048xf32>
    %mul3A_67 = arith.constant 9.900000e+01 : f32
    %mul3A_68 = vector.broadcast %mul3A_67 : f32 to vector<256x2048xf32>
    %mul3A_69 = arith.mulf %sub3A_66, %mul3A_68 : vector<256x2048xf32>
    %add3A_70 = arith.addf %add3A, %mul3A_69 : vector<256x2048xf32>
    %swap3A = arith.constant 0 : index
    %swap3A_71 = arith.constant 0 : index
    %swap3A_72 = vector.load %arg11[%swap3A, %swap3A_71] : memref<256x2048xf32, #tpu.memory_space<vmem>>, vector<256x2048xf32>
    tpu.vector_store %arg11[%swap3A, %swap3A_71], %add3A_64 {strides = array<i32>} : memref<256x2048xf32, #tpu.memory_space<vmem>>, vector<256x2048xf32>,
    %swap3A_73 = arith.constant 0 : index
    %swap3A_74 = arith.constant 0 : index
    %swap3A_75 = vector.load %arg12[%swap3A_73, %swap3A_74] : memref<256x2048xf32, #tpu.memory_space<vmem>>, vector<256x2048xf32>
    tpu.vector_store %arg12[%swap3A_73, %swap3A_74], %add3A_70 {strides = array<i32>} : memref<256x2048xf32, #tpu.memory_space<vmem>>, vector<256x2048xf32>,
    %slice3A = vector.extract_strided_slice %add3A_64 {offsets = [0, 0], sizes = [256, 256], strides = [1, 1]} : vector<256x2048xf32> to vector<256x256xf32>
    %reduce_max3A = arith.constant dense<0xFF800000> : vector<256xf32>
    %reduce_max3A_76 = vector.multi_reduction <maximumf>, %slice3A, %reduce_max3A [1] : vector<256x256xf32> to vector<256xf32>
    %broadcast_in_dim3A = vector.shape_cast %reduce_max3A_76 : vector<256xf32> to vector<256x1xf32>
    %slice3A_77 = vector.extract_strided_slice %add3A_64 {offsets = [0, 256], sizes = [256, 256], strides = [1, 1]} : vector<256x2048xf32> to vector<256x256xf32>
    %reduce_max3A_78 = arith.constant dense<0xFF800000> : vector<256xf32>
    %reduce_max3A_79 = vector.multi_reduction <maximumf>, %slice3A_77, %reduce_max3A_78 [1] : vector<256x256xf32> to vector<256xf32>
    %broadcast_in_dim3A_80 = vector.shape_cast %reduce_max3A_79 : vector<256xf32> to vector<256x1xf32>
    %slice3A_81 = vector.extract_strided_slice %add3A_64 {offsets = [0, 512], sizes = [256, 256], strides = [1, 1]} : vector<256x2048xf32> to vector<256x256xf32>
    %reduce_max3A_82 = arith.constant dense<0xFF800000> : vector<256xf32>
    %reduce_max3A_83 = vector.multi_reduction <maximumf>, %slice3A_81, %reduce_max3A_82 [1] : vector<256x256xf32> to vector<256xf32>
    %broadcast_in_dim3A_84 = vector.shape_cast %reduce_max3A_83 : vector<256xf32> to vector<256x1xf32>
    %slice3A_85 = vector.extract_strided_slice %add3A_64 {offsets = [0, 768], sizes = [256, 256], strides = [1, 1]} : vector<256x2048xf32> to vector<256x256xf32>
    %reduce_max3A_86 = arith.constant dense<0xFF800000> : vector<256xf32>
    %reduce_max3A_87 = vector.multi_reduction <maximumf>, %slice3A_85, %reduce_max3A_86 [1] : vector<256x256xf32> to vector<256xf32>
    %broadcast_in_dim3A_88 = vector.shape_cast %reduce_max3A_87 : vector<256xf32> to vector<256x1xf32>
    %slice3A_89 = vector.extract_strided_slice %add3A_64 {offsets = [0, 1024], sizes = [256, 256], strides = [1, 1]} : vector<256x2048xf32> to vector<256x256xf32>
    %reduce_max3A_90 = arith.constant dense<0xFF800000> : vector<256xf32>
    %reduce_max3A_91 = vector.multi_reduction <maximumf>, %slice3A_89, %reduce_max3A_90 [1] : vector<256x256xf32> to vector<256xf32>
    %broadcast_in_dim3A_92 = vector.shape_cast %reduce_max3A_91 : vector<256xf32> to vector<256x1xf32>
    %slice3A_93 = vector.extract_strided_slice %add3A_64 {offsets = [0, 1280], sizes = [256, 256], strides = [1, 1]} : vector<256x2048xf32> to vector<256x256xf32>
    %reduce_max3A_94 = arith.constant dense<0xFF800000> : vector<256xf32>
    %reduce_max3A_95 = vector.multi_reduction <maximumf>, %slice3A_93, %reduce_max3A_94 [1] : vector<256x256xf32> to vector<256xf32>
    %broadcast_in_dim3A_96 = vector.shape_cast %reduce_max3A_95 : vector<256xf32> to vector<256x1xf32>
    %slice3A_97 = vector.extract_strided_slice %add3A_64 {offsets = [0, 1536], sizes = [256, 256], strides = [1, 1]} : vector<256x2048xf32> to vector<256x256xf32>
    %reduce_max3A_98 = arith.constant dense<0xFF800000> : vector<256xf32>
    %reduce_max3A_99 = vector.multi_reduction <maximumf>, %slice3A_97, %reduce_max3A_98 [1] : vector<256x256xf32> to vector<256xf32>
    %broadcast_in_dim3A_100 = vector.shape_cast %reduce_max3A_99 : vector<256xf32> to vector<256x1xf32>
    %slice3A_101 = vector.extract_strided_slice %add3A_64 {offsets = [0, 1792], sizes = [256, 256], strides = [1, 1]} : vector<256x2048xf32> to vector<256x256xf32>
    %reduce_max3A_102 = arith.constant dense<0xFF800000> : vector<256xf32>
    %reduce_max3A_103 = vector.multi_reduction <maximumf>, %slice3A_101, %reduce_max3A_102 [1] : vector<256x256xf32> to vector<256xf32>
    %broadcast_in_dim3A_104 = vector.shape_cast %reduce_max3A_103 : vector<256xf32> to vector<256x1xf32>
    %concatenate3A = tpu.concatenate %broadcast_in_dim3A, %broadcast_in_dim3A_80, %broadcast_in_dim3A_84, %broadcast_in_dim3A_88, %broadcast_in_dim3A_92, %broadcast_in_dim3A_96, %broadcast_in_dim3A_100, %broadcast_in_dim3A_104 in 1 : vector<256x1xf32>, vector<256x1xf32>, vector<256x1xf32>, vector<256x1xf32>, vector<256x1xf32>, vector<256x1xf32>, vector<256x1xf32>, vector<256x1xf32> -> vector<256x8xf32>
    %slice3A_105 = vector.extract_strided_slice %add3A_70 {offsets = [0, 0], sizes = [256, 256], strides = [1, 1]} : vector<256x2048xf32> to vector<256x256xf32>
    %reduce_min3A = arith.constant dense<0x7F800000> : vector<256xf32>
    %reduce_min3A_106 = vector.multi_reduction <minimumf>, %slice3A_105, %reduce_min3A [1] : vector<256x256xf32> to vector<256xf32>
    %broadcast_in_dim3A_107 = vector.shape_cast %reduce_min3A_106 : vector<256xf32> to vector<256x1xf32>
    %slice3A_108 = vector.extract_strided_slice %add3A_70 {offsets = [0, 256], sizes = [256, 256], strides = [1, 1]} : vector<256x2048xf32> to vector<256x256xf32>
    %reduce_min3A_109 = arith.constant dense<0x7F800000> : vector<256xf32>
    %reduce_min3A_110 = vector.multi_reduction <minimumf>, %slice3A_108, %reduce_min3A_109 [1] : vector<256x256xf32> to vector<256xf32>
    %broadcast_in_dim3A_111 = vector.shape_cast %reduce_min3A_110 : vector<256xf32> to vector<256x1xf32>
    %slice3A_112 = vector.extract_strided_slice %add3A_70 {offsets = [0, 512], sizes = [256, 256], strides = [1, 1]} : vector<256x2048xf32> to vector<256x256xf32>
    %reduce_min3A_113 = arith.constant dense<0x7F800000> : vector<256xf32>
    %reduce_min3A_114 = vector.multi_reduction <minimumf>, %slice3A_112, %reduce_min3A_113 [1] : vector<256x256xf32> to vector<256xf32>
    %broadcast_in_dim3A_115 = vector.shape_cast %reduce_min3A_114 : vector<256xf32> to vector<256x1xf32>
    %slice3A_116 = vector.extract_strided_slice %add3A_70 {offsets = [0, 768], sizes = [256, 256], strides = [1, 1]} : vector<256x2048xf32> to vector<256x256xf32>
    %reduce_min3A_117 = arith.constant dense<0x7F800000> : vector<256xf32>
    %reduce_min3A_118 = vector.multi_reduction <minimumf>, %slice3A_116, %reduce_min3A_117 [1] : vector<256x256xf32> to vector<256xf32>
    %broadcast_in_dim3A_119 = vector.shape_cast %reduce_min3A_118 : vector<256xf32> to vector<256x1xf32>
    %slice3A_120 = vector.extract_strided_slice %add3A_70 {offsets = [0, 1024], sizes = [256, 256], strides = [1, 1]} : vector<256x2048xf32> to vector<256x256xf32>
    %reduce_min3A_121 = arith.constant dense<0x7F800000> : vector<256xf32>
    %reduce_min3A_122 = vector.multi_reduction <minimumf>, %slice3A_120, %reduce_min3A_121 [1] : vector<256x256xf32> to vector<256xf32>
    %broadcast_in_dim3A_123 = vector.shape_cast %reduce_min3A_122 : vector<256xf32> to vector<256x1xf32>
    %slice3A_124 = vector.extract_strided_slice %add3A_70 {offsets = [0, 1280], sizes = [256, 256], strides = [1, 1]} : vector<256x2048xf32> to vector<256x256xf32>
    %reduce_min3A_125 = arith.constant dense<0x7F800000> : vector<256xf32>
    %reduce_min3A_126 = vector.multi_reduction <minimumf>, %slice3A_124, %reduce_min3A_125 [1] : vector<256x256xf32> to vector<256xf32>
    %broadcast_in_dim3A_127 = vector.shape_cast %reduce_min3A_126 : vector<256xf32> to vector<256x1xf32>
    %slice3A_128 = vector.extract_strided_slice %add3A_70 {offsets = [0, 1536], sizes = [256, 256], strides = [1, 1]} : vector<256x2048xf32> to vector<256x256xf32>
    %reduce_min3A_129 = arith.constant dense<0x7F800000> : vector<256xf32>
    %reduce_min3A_130 = vector.multi_reduction <minimumf>, %slice3A_128, %reduce_min3A_129 [1] : vector<256x256xf32> to vector<256xf32>
    %broadcast_in_dim3A_131 = vector.shape_cast %reduce_min3A_130 : vector<256xf32> to vector<256x1xf32>
    %slice3A_132 = vector.extract_strided_slice %add3A_70 {offsets = [0, 1792], sizes = [256, 256], strides = [1, 1]} : vector<256x2048xf32> to vector<256x256xf32>
    %reduce_min3A_133 = arith.constant dense<0x7F800000> : vector<256xf32>
    %reduce_min3A_134 = vector.multi_reduction <minimumf>, %slice3A_132, %reduce_min3A_133 [1] : vector<256x256xf32> to vector<256xf32>
    %broadcast_in_dim3A_135 = vector.shape_cast %reduce_min3A_134 : vector<256xf32> to vector<256x1xf32>
    %concatenate3A_136 = tpu.concatenate %broadcast_in_dim3A_107, %broadcast_in_dim3A_111, %broadcast_in_dim3A_115, %broadcast_in_dim3A_119, %broadcast_in_dim3A_123, %broadcast_in_dim3A_127, %broadcast_in_dim3A_131, %broadcast_in_dim3A_135 in 1 : vector<256x1xf32>, vector<256x1xf32>, vector<256x1xf32>, vector<256x1xf32>, vector<256x1xf32>, vector<256x1xf32>, vector<256x1xf32>, vector<256x1xf32> -> vector<256x8xf32>
    %transpose3A = tpu.transpose %concatenate3A, [1, 0] : vector<256x8xf32> -> vector<8x256xf32>
    %swap3A_137 = arith.constant 0 : index
    %swap3A_138 = arith.constant 0 : index
    %swap3A_139 = vector.load %arg13[%swap3A_137, %swap3A_138] : memref<8x256xf32, #tpu.memory_space<vmem>>, vector<8x256xf32>
    tpu.vector_store %arg13[%swap3A_137, %swap3A_138], %transpose3A {strides = array<i32>} : memref<8x256xf32, #tpu.memory_space<vmem>>, vector<8x256xf32>,
    %transpose3A_140 = tpu.transpose %concatenate3A_136, [1, 0] : vector<256x8xf32> -> vector<8x256xf32>
    %swap3A_141 = arith.constant 0 : index
    %swap3A_142 = arith.constant 0 : index
    %swap3A_143 = vector.load %arg14[%swap3A_141, %swap3A_142] : memref<8x256xf32, #tpu.memory_space<vmem>>, vector<8x256xf32>
    tpu.vector_store %arg14[%swap3A_141, %swap3A_142], %transpose3A_140 {strides = array<i32>} : memref<8x256xf32, #tpu.memory_space<vmem>>, vector<8x256xf32>,
    return
  }
  func.func @transform_0(%arg0: i32, %arg1: i32) -> (i32, i32) {
    %c0_i32 = arith.constant 0 : i32
    %c0_i32_0 = arith.constant 0 : i32
    return %arg0, %c0_i32 : i32, i32
  }
  func.func @transform_1(%arg0: i32, %arg1: i32) -> (i32, i32) {
    %c0_i32 = arith.constant 0 : i32
    %c0_i32_0 = arith.constant 0 : i32
    return %arg1, %c0_i32 : i32, i32
  }
  func.func @transform_2(%arg0: i32, %arg1: i32) -> (i32, i32) {
    %c0_i32 = arith.constant 0 : i32
    %c0_i32_0 = arith.constant 0 : i32
    return %arg0, %c0_i32 : i32, i32
  }
  func.func @transform_3(%arg0: i32, %arg1: i32) -> (i32, i32) {
    %c0_i32 = arith.constant 0 : i32
    %c0_i32_0 = arith.constant 0 : i32
    return %arg1, %c0_i32 : i32, i32
  }
  func.func @transform_4(%arg0: i32, %arg1: i32) -> (i32, i32) {
    %c0_i32 = arith.constant 0 : i32
    %c0_i32_0 = arith.constant 0 : i32
    return %arg0, %c0_i32 : i32, i32
  }
  func.func @transform_5(%arg0: i32, %arg1: i32) -> (i32, i32) {
    %c0_i32 = arith.constant 0 : i32
    %c0_i32_0 = arith.constant 0 : i32
    return %c0_i32, %arg1 : i32, i32
  }
  func.func @transform_6(%arg0: i32, %arg1: i32) -> (i32, i32) {
    %c0_i32 = arith.constant 0 : i32
    %c0_i32_0 = arith.constant 0 : i32
    return %arg0, %c0_i32 : i32, i32
  }
  func.func @transform_7(%arg0: i32, %arg1: i32) -> (i32, i32) {
    %c0_i32 = arith.constant 0 : i32
    %c0_i32_0 = arith.constant 0 : i32
    return %c0_i32, %arg1 : i32, i32
  }
  func.func @transform_8(%arg0: i32, %arg1: i32) -> (i32, i32) {
    %c0_i32 = arith.constant 0 : i32
    return %arg0, %arg1 : i32, i32
  }
  func.func @transform_9(%arg0: i32, %arg1: i32) -> (i32, i32) {
    %c0_i32 = arith.constant 0 : i32
    return %arg0, %arg1 : i32, i32
  }
  func.func @transform_10(%arg0: i32, %arg1: i32) -> (i32, i32) {
    %c0_i32 = arith.constant 0 : i32
    return %arg0, %arg1 : i32, i32
  }
  func.func @transform_11(%arg0: i32, %arg1: i32) -> (i32, i32) {
    %c0_i32 = arith.constant 0 : i32
    return %arg1, %arg0 : i32, i32
  }
  func.func @transform_12(%arg0: i32, %arg1: i32) -> (i32, i32) {
    %c0_i32 = arith.constant 0 : i32
    return %arg1, %arg0 : i32, i32
  }
}

</mosaic_0001>

<sc_bundles>
// kernel: gather_offload_async_start.1
scs
__scs_entry_jumppad:
0x0: {  	(pc) =	sbr.rel $0x88, $3  }
0x1: {  	(tag) =	ssettag $0x0;
	lr =	simm.s32 $0x1  }
0x2: {  	[smem:$0x3F9E] =	sst lr;
	_ =	strace $0xD0000000  }
0x3: {  	_ = 	snop  }
0x4: {  	_ = 	snop  }
0x5: {  	_ = 	snop  }
0x6: {  	_ = 	snop  }
0x7: {  	_ = 	snop  }
__scs_overlays_trampoline_lowered:
0x8: {  	[smem:$0x3FAD] =	sst s0  }
0x9: {  	[smem:$0x3FAE] =	sst s1  }
0xa: {  	[smem:$0x3FAF] =	sst s2  }
0xb: {  	[smem:$0x3FB0] =	sst s3  }
0xc: {  	[smem:$0x3FB1] =	sst s4  }
0xd: {  	[smem:$0x3FB2] =	sst s5  }
0xe: {  	[smem:$0x3FB3] =	sst s6  }
0xf: {  	[smem:$0x3FB4] =	sst s7  }
0x10: {  	[smem:$0x3FB5] =	sst s8  }
0x11: {  	[smem:$0x3FB6] =	sst s9;
	s0 =	simm.s32 @!p0 $0x0  }
0x12: {  	s1 =	sld [smem:$0x3F9C];
	s0 =	simm.s32 @p0 $0x1  }
0x13: {  	[smem:$0x3FB7] =	sst s0;
	s0 =	simm.s32 @!p1 $0x0  }
0x14: {  	s2 =	sld [smem:$0x3F9B];
	s0 =	simm.s32 @p1 $0x1  }
0x15: {  	[smem:$0x3FB8] =	sst s0;
	s0 =	simm.s32 @!p2 $0x0  }
0x16: {  	s3 =	sld [smem:$0x3FDB];
	s0 =	simm.s32 @p2 $0x1  }
0x17: {  	s4 =	simm.s32 $0x1BF5;
	[smem:$0x3FBA] =	sst s0  }
0x18: {  	s0 =	sld [smem:$0x3F9D];
	_ =	swait.ge [sflag:s4], $0x0  }
0x19: {  	s7 =	sld [smem:$0x3F9E]  }
0x1a: {  	s8 =	sadd.s32 $0xFFFFE003, lr  }
0x1b: {  	s9 =	sadd.s32 $0xFFFFFEF7, lr;
	s5 =	simm.s32 $0xFFFFFFFF;
	p2 =	slt.u32 s8, $0xFFFFF086  }
0x1c: {  	p1 =	slt.u32 s9, $0xF7A;
	s5 =	simm.s32 @!p2 $0x0  }
0x1d: {  	s5 =	simm.s32 @p1 $0x1;
	p0 =	seq.s32 s7, s2  }
0x1e: {  	s7 =	smul.u32 @!p0 $0xF7A, s2;
	p2 =	seq.s32 @!p0 s5, $0x0  }
0x1f: {  	s9 =	smul.u32 $0xF7A, s1;
	s8 =	simm.s32 @!p0 $0x1BF5;
	p2 =	por !p2, p0  }
0x20: {  	[sflag:s8] =	ssyncset.s32 @!p0 $0xFFFFF086;
	s6 =	sadd.s32 @!p0 s3, s7;
	s7 =	simm.s32 @!p0 $0x108  }
0x21: {  	s3 =	sadd.s32 s3, s9;
	s6 =	sadd.s32 @!p0 $0x88, s6;
	s7 =	simm.s32 @p2 $0x1082  }
0x22: {  	[simem:s7], [sflag:s8] =	dma.local @!p0 [hbm:s6], $0xF7A  }
0x23: {  	s9 =	sor.u32 $0xD0000000, s2;
	s6 =	simm.s32 $0x108;
	_ =	swait.ge @!p0 [sflag:s8], $0x0  }
0x24: {  	s3 =	sadd.s32 $0x88, s3;
	s6 =	simm.s32 @!p1 $0x1082;
	[sflag:s4] =	ssyncset.s32 $0xFFFFF086  }
0x25: {  	[simem:s6], [sflag:s4] =	dma.local [hbm:s3], $0xF7A  }
0x26: {  	[smem:$0x3F9E] =	sst s1;
	(tag) =	ssettag s2;
	_ =	strace s9  }
0x27: {  	s1 =	sld [smem:$0x3FAE]  }
0x28: {  	s2 =	sld [smem:$0x3FAF]  }
0x29: {  	s4 =	sld [smem:$0x3FB1]  }
0x2a: {  	p0 =	seq.s32 s5, $0x0;
	s5 =	sld [smem:$0x3FB2]  }
0x2b: {  	s6 =	sld [smem:$0x3FB3]  }
0x2c: {  	s7 =	sld [smem:$0x3FB4]  }
0x2d: {  	s3 =	simm.s32 $0x108;
	s8 =	sld [smem:$0x3FB5]  }
0x2e: {  	s3 =	simm.s32 @!p0 $0x1082;
	s9 =	sld [smem:$0x3FB6]  }
0x2f: {  	lr =	sadd.s32 s0, s3;
	s0 =	sld [smem:$0x3FAD]  }
0x30: {  	s3 =	sld [smem:$0x3FB0]  }
0x31: {  	[smem:$0x3FB9] =	sst s10  }
0x32: {  	s10 =	sld [smem:$0x3FB7];
	_ =	sdelay $0x3  }
0x33: {  	p0 =	seq.s32 s10, $0x1;
	s10 =	sld [smem:$0x3FB9];
	_ =	sdelay $0x3  }
0x34: {  	[smem:$0x3FB9] =	sst s10  }
0x35: {  	s10 =	sld [smem:$0x3FB8];
	_ =	sdelay $0x3  }
0x36: {  	p1 =	seq.s32 s10, $0x1;
	s10 =	sld [smem:$0x3FB9];
	_ =	sdelay $0x3  }
0x37: {  	[smem:$0x3FB9] =	sst s10  }
0x38: {  	s10 =	sld [smem:$0x3FBA]  }
0x39: {  	_ = 	snop;
	(pc) =	sbr.ind lr, $3  }
0x3a: {  	_ = 	snop  }
0x3b: {  	_ = 	snop  }
0x3c: {  	p2 =	seq.s32 s10, $0x1;
	s10 =	sld [smem:$0x3FB9]  }
0x3d: {  	_ =	shalt  }
0x3e: {  	_ =	shalt  }
0x3f: {  	_ =	shalt  }
0x40: {  	_ =	shalt  }
0x41: {  	_ =	shalt  }
0x42: {  	_ =	shalt  }
0x43: {  	_ =	shalt  }
0x44: {  	_ =	shalt  }
0x45: {  	_ =	shalt  }
0x46: {  	_ =	shalt  }
0x47: {  	_ =	shalt  }
0x48: {  	_ =	shalt  }
0x49: {  	_ =	shalt  }
0x4a: {  	_ =	shalt  }
0x4b: {  	_ =	shalt  }
0x4c: {  	_ =	shalt  }
0x4d: {  	_ =	shalt  }
0x4e: {  	_ =	shalt  }
0x4f: {  	_ =	shalt  }
0x50: {  	_ =	shalt  }
0x51: {  	_ =	shalt  }
0x52: {  	_ =	shalt  }
0x53: {  	_ =	shalt  }
0x54: {  	_ =	shalt  }
0x55: {  	_ =	shalt  }
0x56: {  	_ =	shalt  }
0x57: {  	_ =	shalt  }
0x58: {  	_ =	shalt  }
0x59: {  	_ =	shalt  }
0x5a: {  	_ =	shalt  }
0x5b: {  	_ =	shalt  }
0x5c: {  	_ =	shalt  }
0x5d: {  	_ =	shalt  }
0x5e: {  	_ =	shalt  }
0x5f: {  	_ =	shalt  }
0x60: {  	_ =	shalt  }
0x61: {  	_ =	shalt  }
0x62: {  	_ =	shalt  }
0x63: {  	_ =	shalt  }
0x64: {  	_ =	shalt  }
0x65: {  	_ =	shalt  }
0x66: {  	_ =	shalt  }
0x67: {  	_ =	shalt  }
0x68: {  	_ =	shalt  }
0x69: {  	_ =	shalt  }
0x6a: {  	_ =	shalt  }
0x6b: {  	_ =	shalt  }
0x6c: {  	_ =	shalt  }
0x6d: {  	_ =	shalt  }
0x6e: {  	_ =	shalt  }
0x6f: {  	_ =	shalt  }
0x70: {  	_ =	shalt  }
0x71: {  	_ =	shalt  }
0x72: {  	_ =	shalt  }
0x73: {  	_ =	shalt  }
0x74: {  	_ =	shalt  }
0x75: {  	_ =	shalt  }
0x76: {  	_ =	shalt  }
0x77: {  	_ =	shalt  }
0x78: {  	_ =	shalt  }
0x79: {  	_ =	shalt  }
0x7a: {  	_ =	shalt  }
0x7b: {  	_ =	shalt  }
0x7c: {  	_ =	shalt  }
0x7d: {  	_ =	shalt  }
0x7e: {  	_ =	shalt  }
0x7f: {  	_ =	shalt  }
0x80: {  	_ =	shalt  }
0x81: {  	_ =	shalt  }
0x82: {  	_ =	shalt  }
0x83: {  	_ =	shalt  }
0x84: {  	_ =	shalt  }
0x85: {  	_ =	shalt  }
0x86: {  	_ =	shalt  }
0x87: {  	_ =	shalt  }
.Lfunc_end0:
.L_simem_size_0:
called_computation.4_lowered:
.L_overlay_start_0:
0x88: {  	s2 =	sld [smem:$0x3FD9]  }
0x89: {  	s3 =	sld [smem:$0x3FFE];
	_ =	sdelay $0x1  }
0x8a: {  	s1 =	srdreg.scid  }
0x8b: {  	s0 =	sand.u32 $0x1, s1  }
0x8c: {  	s16 =	sshll.u32 s0, $0xA;
	s2 =	sadd.s32 s3, s2  }
0x8d: {  	s2 =	sadd.s32 s2, s16  }
0x8e: {  	[smem:$0x3FC5] =	sst s2  }
0x8f: {  	_ = 	snop  }
0x90: {  	(tm) =	ssettm $0x1  }
0x91: {  	s17 =	sld [smem:$0x3FFB];
	_ =	sdelay $0x3  }
0x92: {  	_ =	strace s17  }
0x93: {  	s2 =	sld [smem:$0x3FFC];
	_ =	sdelay $0x3  }
0x94: {  	_ =	strace s2  }
0x95: {  	s2 =	sld [smem:$0x3FFD];
	_ =	sdelay $0x3  }
0x96: {  	_ =	strace s2  }
0x97: {  	_ =	strace $0x8FFFFFFF  }
0x98: {  	s18 =	sld [smem:$0x3FDB];
	_ =	sdelay $0x1  }
0x99: {  	s19 =	simm.s32 $_scs_section_size  }
0x9a: {  	s4 =	simm.s32 $_size__tile_overlayer_lowered;
	s5 =	simm.s32 $_tile_overlayer_lowered  }
0x9b: {  	s22 =	simm.s32 $0x1BFF;
	s21 =	sshll.u32 s5, $0x1;
	s2 =	sadd.s32 s19, s18  }
0x9c: {  	s6 =	simm.s32 $0x0;
	s20 =	sshll.u32 s4, $0x1;
	s4 =	sadd.s32 s21, s2  }
0x9d: {  	[timem:s6], [sflag:s22] =	dma.local [hbm:s4], s20  }
0x9e: {  	_ =	swait.ge [sflag:s22], s20  }
0x9f: {  	s3 =	ssub.s32 $0x0, s20;
	[sflag:s22] =	ssyncset.done $0x0  }
0xa0: {  	[sflag:s22] =	ssyncadd.s32 s3;
	_ =	sdelay $0x1  }
0xa1: {  	s23 =	simm.s32 $0x1B8B  }
0xa2: {  	_ =	swait.ge [sflag:s23], $0x1  }
0xa3: {  	[sflag:s23] =	ssyncset.done $0x0  }
0xa4: {  	s25 =	simm.s32 $0x1B8E;
	s24 =	sld [smem:$0x3FFE];
	[sflag:s23] =	ssyncadd.s32 $0xFFFFFFFF  }
0xa5: {  	s26 =	simm.s32 $execute0_lowered;
	[smem:$0x3FD2] =	sst s25  }
0xa6: {  	s4 =	sshll.u32 s26, $0x1;
	_ =	strace $0x8000004C;
	[dreg:$0x1] =	wrdreg $0xFFFFFFFF  }
0xa7: {  	s28 =	simm.s32 $_size_execute0_lowered;
	s2 =	sadd.s32 s2, s4;
	[dreg:$0x0] =	wrdreg $0x0  }
0xa8: {  	s4 =	sshll.u32 s28, $0x1;
	[dreg:$0x2] =	wrdreg s2  }
0xa9: {  	[dreg:$0x3] =	wrdreg s4  }
0xaa: {  	[dreg:$0x4] =	wrdreg $0xC0  }
0xab: {  	_ =	task [dreg:s6], $0x5FFFF  }
0xac: {  	[dreg:$0x1] =	wrdreg $0xFFFFFFFF  }
0xad: {  	[dreg:$0x0] =	wrdreg $0x60  }
0xae: {  	[dreg:$0x2] =	wrdreg s24  }
0xaf: {  	[dreg:$0x3] =	wrdreg $0xA  }
0xb0: {  	_ =	task.clear_ibuf [dreg:s6], $0x4FFFF;
	_ =	strace $0x9000004C  }
0xb1: {  	s29 =	simm.s32 $0xA;
	_ =	strace $0x8000004E  }
0xb2: {  	_ =	swait.ge [sflag:s29], $0x1  }
0xb3: {  	[sflag:s29] =	ssyncadd.s32 $0xFFFFFFFF  }
0xb4: {  	_ =	strace $0x9000004E  }
0xb5: {  	_ =	sfence  }
0xb6: {  	s30 =	sld [smem:$0x0];
	_ =	sdelay $0x2  }
0xb7: {  	s31 =	sshll.u32 s1, $0xD;
	s1 =	sshrl.u32 s1, $0x2  }
0xb8: {  	s3 =	sand.u32 $0x4000, s31;
	s1 =	sadd.s32 s1, s30  }
0xb9: {  	s0 =	sor.u32 s3, s0;
	s1 =	sshll.u32 s1, $0x11  }
0xba: {  	s0 =	sor.u32 s1, s0  }
0xbb: {  	s0 =	sadd.s32 $0x8F2B, s0  }
0xbc: {  	[sflag:s0] =	ssyncadd.remote.s32 $0x1  }
0xbd: {  	_ =	sfence.sel $0xFFFF  }
0xbe: {  	[dreg:$0x0] =	wrdreg $0xFFFFFFFF;
	(pc) =	sbr.abs _section_cstart, $3  }
0xbf: {  	[dreg:$0x1] =	wrdreg $0xFFFFFFFF  }
0xc0: {  	_ =	task.clear_ibuf [dreg:s6], $0x2FFFF;
	_ =	strace $0x9FFFFFFF  }
0xc1: {  	(tm) =	ssettm $0x7FFFFFFF  }
tec
execute0_lowered:
.L_overlay_start_1:
0x0: {  	(tag) =	ssettag $0x1  }
0x1: {  	s0 =	srdreg.scid;
	s5 =	rddreg [dreg:$0x0]  }
0x2: {  	s1 =	stileid.u32;
	s6 =	simm.s32 $0x1;
	s9 =	simm.s32 $0x1  }
0x3: {  	s10 =	simm.s32 $0x3;
	s13 =	simm.s32 $0x0;
	s2 =	sshll.u32 s0, $0xC  }
0x4: {  	s12 =	simm.s32 $0x0;
	s3 =	sshll.u32 s1, $0xD;
	s2 =	sand.u32 $0x1000, s2  }
0x5: {  	s0 =	rddreg [dreg:$0x1];
	_ =	strace $0x8000004D;
	s2 =	sor.u32 s3, s2  }
0x6: {  	s4 =	sadd.s32 $0x40C000, s5;
	[sflag:s6] =	ssyncpa.u1 $0x0;
	s8 =	ssub.s32 $0x40000, s2  }
.Ltmp0:
0x7: {  	s3 =	sadd.s32 $0x414000, s5;
	s7 =	sand.u32 $0x1F000, s8;
	(pc) =	sbr.rel .LBB2_1-.Ltmp0, $4  }
0x8: {  	s5 =	sadd.s32 $0x824000, s5;
	s11 =	smov.u32 s2;
	p0 =	sne.s32 s7, $0x0  }
0x9: {  	s8 =	sshrl.u32 s8, $0x11;
	s7 =	simm.s32 $0x2;
	s9 =	simm.s32 @!p0 $0x0  }
0xa: {  	[sflag:s7] =	ssyncpa.u1 $0x0;
	p0 =	por $0x0, $0x0;
	s8 =	sadd.s32 s9, s8  }
0xb: {  	vm0 =	vmmov $0xffff;
	[sflag:s10] =	ssyncpa.u1 $0x0;
	s10 =	simm.s32 $0x0;
	s9 =	sadd.s32 $0x1, s8  }
.LBB2_4:
0xc: {  	v2 =	vnsel vm1, $0x0, v2  }
0xd: {  	vm1 =	vgt.s32 v0, $0x0;
	v2 =	vmin.u32 v2, $0x1FFFFFF  }
0xe: {  	v0 =	vnsel vm1, $0x0, v0  }
0xf: {  	v0 =	vmin.u32 v0, $0x1FFFFFF  }
0x10: {  	[tilespmem:s15], [sflag:$0x1] =	stream.indirect_vreg.gather [hbm4b:s3+s10], $0x1, v1, vm0, $0x4038;
	[tilespmem:$0x4000] =	vst v63  }
0x11: {  	(ifvalue) =	ssetifvalue $0x7FFFFFFF  }
0x12: {  	[tilespmem:s16], [sflag:$0x1] =	stream.indirect_vreg.gather [hbm4b:s3+s10], $0x1, v2, vm0, $0x4038;
	[tilespmem:$0x4000] =	vst v63  }
0x13: {  	s29 =	sadd.s32 $0x10, s16;
	(ifvalue) =	ssetifvalue $0x7FFFFFFF  }
0x14: {  	[tilespmem:s29], [sflag:$0x1] =	stream.indirect_vreg.gather [hbm4b:s3+s10], $0x1, v0, vm0, $0x4038;
	[tilespmem:$0x4000] =	vst v63  }
0x15: {  	_ =	swait.ge [sflag:s6], $0x1000  }
0x16: {  	s30 =	sshrl.u32 s13, $0x3;
	[sflag:s6] =	ssyncset.done $0x0  }
0x17: {  	s31 =	sand.u32 $0x7, s13;
	s15 =	sadd.s32 s5, s30;
	[sflag:s6] =	ssyncadd.s32 $0xFFFFF000  }
0x18: {  	[hbm4b:s15+s31] =	stream.linear.scatter [tilespmem:s14], [sflag:$0x3], $0x1000, $0x38;
	[tilespmem:$0x4000] =	vst v63  }
.LBB2_5:
0x19: {  	s15 =	sadd.s32 $0x20000, s11  }
0x1a: {  	p2 =	sgt.s32 s15, $0x3FFFF  }
0x1b: {  	s15 =	smov.u32 @p2 s2;
	p2 =	sne.s32 s12, s9  }
.Ltmp1:
0x1c: {  	p1 =	slt.u32 s12, $0x2;
	(pc) =	sbr.rel @!p2 .LBB2_6-.Ltmp1, $4  }
0x1d: {  	s14 =	simm.s32 @!p1 $0x3  }
0x1e: {  	s16 =	sadd.s32 $0x1, s12;
	_ =	swait.ge @!p1 [sflag:s14], $0x1000  }
0x1f: {  	s13 =	smov.u32 s11;
	p0 =	por !p0, !p0;
	[sflag:s14] =	ssyncset.done @!p1 $0x0  }
0x20: {  	s12 =	smov.u32 s16;
	s11 =	smov.u32 s15;
	[sflag:s14] =	ssyncadd.s32 @!p1 $0xFFFFF000  }
.LBB2_1:
0x21: {  	p1 =	sge.u32 s12, s8  }
0x22: {  	s14 =	sxor.u32 @!p1 $0xFFFFFFFF, s12  }
0x23: {  	s31 =	sadd.s32 $0xFFFFFFFF, s12;
	s15 =	sshrl.u32 @!p1 s11, $0x3;
	s14 =	sshll.u32 @!p1 s14, $0xC  }
0x24: {  	s16 =	sand.u32 @!p1 $0x7, s11;
	s15 =	sadd.s32 @!p1 s4, s15;
	s14 =	sand.u32 @!p1 $0x1000, s14  }
0x25: {  	[tilespmem:s14], [sflag:$0x2] =	stream.linear.gather @!p1 [hbm4b:s15+s16], $0x1000, $0x38;
	[tilespmem:$0x4000] =	vst v63  }
0x26: {  	p1 =	sge.u32 s31, s8  }
.Ltmp2:
0x27: {  	_ = 	snop;
	(pc) =	sbr.rel @p1 .LBB2_5-.Ltmp2, $1  }
0x28: {  	_ =	sdelay $0x3  }
0x29: {  	s14 =	simm.s32 $0x1  }
0x2a: {  	_ =	swait.ge [sflag:s7], $0x1000;
	s14 =	simm.s32 @!p0 $0x0  }
0x2b: {  	[sflag:s7] =	ssyncset.done $0x0;
	s14 =	sshll.u32 s14, $0xC  }
0x2c: {  	[sflag:s7] =	ssyncadd.s32 $0xFFFFF000;
	(ifvalue) =	ssetifvalue $0x7FFFFFFF;
	v0 =	vld.msk [tilespmem:s14+$0x0 ss:$0x1], $0xffff;
	_ =	sdelay $0x4  }
0x2d: {  	s15 =	sadd.s32 $0x10, s14;
	vm1 =	vgt.s32 v0, $0x0  }
0x2e: {  	v2 =	vld.msk [tilespmem:s15+$0x0 ss:$0x1], $0xffff;
	v1 =	vnsel vm1, $0x0, v0  }
0x2f: {  	v1 =	vmin.u32 v1, $0x1FFFFFF;
	_ =	sdelay $0x1  }
0x30: {  	s16 =	sshll.u32 s12, $0xC;
	s18 =	simm.s32 $0x20  }
0x31: {  	s16 =	sand.u32 $0x1000, s16;
	s17 =	sadd.s32 $0x10, s15;
	s15 =	sor.u32 $0x2000, s14  }
0x32: {  	s14 =	sor.u32 $0x2000, s16;
	s16 =	sadd.s32 $0x10, s15;
	v0 =	vld.msk [tilespmem:s17+$0x0 ss:$0x1], $0xffff;
	vm1 =	vgt.s32 v2, $0x0;
	(ifvalue) =	ssetifvalue $0x7FFFFFFF  }
.LBB2_3:
0x33: {  	[tilespmem:s15], [sflag:$0x1] =	stream.indirect_vreg.gather [hbm4b:s3+s10], $0x1, v1, vm0, $0x4038;
	[tilespmem:$0x4000] =	vst v63  }
0x34: {  	s18 =	sadd.s32 $0x10, s18  }
0x35: {  	v2 =	vnsel vm1, $0x0, v2;
	p1 =	slt.u32 s18, $0xFF0  }
.Ltmp3:
0x36: {  	s15 =	smov.u32 s16;
	v1 =	vmin.u32 v2, $0x1FFFFFF;
	(pc) =	sbr.rel @p1 .LBB2_3-.Ltmp3, $3  }
0x37: {  	_ =	sdelay $0x1  }
0x38: {  	s17 =	sadd.s32 $0x10, s17  }
0x39: {  	vm1 =	vgt.s32 v0, $0x0;
	s16 =	sadd.s32 $0x10, s16;
	v2 =	vmov v0;
	(ifvalue) =	ssetifvalue $0x7FFFFFFF;
	v0 =	vld.msk [tilespmem:s17+$0x0 ss:$0x1], $0xffff  }
.Ltmp4:
0x3a: {  	_ = 	snop;
	(pc) =	sbr.rel .LBB2_4-.Ltmp4, $1  }
0x3b: {  	_ =	sdelay $0x3  }
.LBB2_6:
0x3c: {  	_ =	sfence.sel $0x180000  }
0x3d: {  	s2 =	simm.s32 $0x2;
	[bflag:$0x0] =	sbarrier.arrive $0xFFFF  }
0x3e: {  	s30 =	simm.s32 $0x3;
	[sflag:s2] =	ssyncpa.u1 $0x1  }
0x3f: {  	s31 =	simm.s32 $0x1;
	[sflag:s30] =	ssyncpa.u1 $0x1  }
0x40: {  	[sflag:s31] =	ssyncpa.u1 $0x1  }
0x41: {  	p0 =	sne.s32 s1, $0x0;
	_ =	strace $0x9000004D  }
0x42: {  	s0 =	sadd.s32 @!p0 $0x100000, s0;
	[bflag:$0x2] =	sbarrier.arrive $0xFFFF  }
0x43: {  	[sflag:s0] =	ssyncadd.tile.s32 @!p0 $0x1;
	_ =	shalt  }
.Lfunc_end2:
_tile_overlayer_lowered:
.L_overlay_start_2:
0x44: {  	(tag) =	ssettag $0x2  }
0x45: {  	s0 =	rddreg [dreg:$0x0];
	s2 =	stileid.u32  }
0x46: {  	s1 =	rddreg [dreg:$0x1];
	p0 =	sne.s32 s2, $0x0  }
0x47: {  	s3 =	rddreg [dreg:$0x2];
	[bflag:$0x3] =	sbarrier.arrive $0xFFFF;
	s2 =	simm.s32 @!p0 $0x1C01  }
0x48: {  	[timem:s3], [sflag:s2] =	dma.local @!p0 [hbm:s0], s1  }
0x49: {  	s0 =	simm.s32 @!p0 $0x1  }
0x4a: {  	_ =	swait.ge @!p0 [sflag:s0], s1  }
0x4b: {  	s1 =	ssub.s32 @!p0 $0x0, s1;
	[sflag:s0] =	ssyncset.done @!p0 $0x0  }
0x4c: {  	[sflag:s0] =	ssyncadd.s32 @!p0 s1  }
0x4d: {  	[bflag:$0x3] =	sbarrier.arrive $0xFFFF  }
0x4e: {  	_ =	shalt  }

// kernel: gather_offload_async_start
scs
__scs_entry_jumppad:
0x0: {  	(pc) =	sbr.rel $0x88, $3  }
0x1: {  	(tag) =	ssettag $0x0;
	lr =	simm.s32 $0x1  }
0x2: {  	[smem:$0x3F9E] =	sst lr;
	_ =	strace $0xD0000000  }
0x3: {  	_ = 	snop  }
0x4: {  	_ = 	snop  }
0x5: {  	_ = 	snop  }
0x6: {  	_ = 	snop  }
0x7: {  	_ = 	snop  }
__scs_overlays_trampoline_lowered:
0x8: {  	[smem:$0x3FAD] =	sst s0  }
0x9: {  	[smem:$0x3FAE] =	sst s1  }
0xa: {  	[smem:$0x3FAF] =	sst s2  }
0xb: {  	[smem:$0x3FB0] =	sst s3  }
0xc: {  	[smem:$0x3FB1] =	sst s4  }
0xd: {  	[smem:$0x3FB2] =	sst s5  }
0xe: {  	[smem:$0x3FB3] =	sst s6  }
0xf: {  	[smem:$0x3FB4] =	sst s7  }
0x10: {  	[smem:$0x3FB5] =	sst s8  }
0x11: {  	[smem:$0x3FB6] =	sst s9;
	s0 =	simm.s32 @!p0 $0x0  }
0x12: {  	s1 =	sld [smem:$0x3F9C];
	s0 =	simm.s32 @p0 $0x1  }
0x13: {  	[smem:$0x3FB7] =	sst s0;
	s0 =	simm.s32 @!p1 $0x0  }
0x14: {  	s2 =	sld [smem:$0x3F9B];
	s0 =	simm.s32 @p1 $0x1  }
0x15: {  	[smem:$0x3FB8] =	sst s0;
	s0 =	simm.s32 @!p2 $0x0  }
0x16: {  	s3 =	sld [smem:$0x3FDB];
	s0 =	simm.s32 @p2 $0x1  }
0x17: {  	s4 =	simm.s32 $0x1BF5;
	[smem:$0x3FBA] =	sst s0  }
0x18: {  	s0 =	sld [smem:$0x3F9D];
	_ =	swait.ge [sflag:s4], $0x0  }
0x19: {  	s7 =	sld [smem:$0x3F9E]  }
0x1a: {  	s8 =	sadd.s32 $0xFFFFE003, lr  }
0x1b: {  	s9 =	sadd.s32 $0xFFFFFEF7, lr;
	s5 =	simm.s32 $0xFFFFFFFF;
	p2 =	slt.u32 s8, $0xFFFFF086  }
0x1c: {  	p1 =	slt.u32 s9, $0xF7A;
	s5 =	simm.s32 @!p2 $0x0  }
0x1d: {  	s5 =	simm.s32 @p1 $0x1;
	p0 =	seq.s32 s7, s2  }
0x1e: {  	s7 =	smul.u32 @!p0 $0xF7A, s2;
	p2 =	seq.s32 @!p0 s5, $0x0  }
0x1f: {  	s9 =	smul.u32 $0xF7A, s1;
	s8 =	simm.s32 @!p0 $0x1BF5;
	p2 =	por !p2, p0  }
0x20: {  	[sflag:s8] =	ssyncset.s32 @!p0 $0xFFFFF086;
	s6 =	sadd.s32 @!p0 s3, s7;
	s7 =	simm.s32 @!p0 $0x108  }
0x21: {  	s3 =	sadd.s32 s3, s9;
	s6 =	sadd.s32 @!p0 $0x88, s6;
	s7 =	simm.s32 @p2 $0x1082  }
0x22: {  	[simem:s7], [sflag:s8] =	dma.local @!p0 [hbm:s6], $0xF7A  }
0x23: {  	s9 =	sor.u32 $0xD0000000, s2;
	s6 =	simm.s32 $0x108;
	_ =	swait.ge @!p0 [sflag:s8], $0x0  }
0x24: {  	s3 =	sadd.s32 $0x88, s3;
	s6 =	simm.s32 @!p1 $0x1082;
	[sflag:s4] =	ssyncset.s32 $0xFFFFF086  }
0x25: {  	[simem:s6], [sflag:s4] =	dma.local [hbm:s3], $0xF7A  }
0x26: {  	[smem:$0x3F9E] =	sst s1;
	(tag) =	ssettag s2;
	_ =	strace s9  }
0x27: {  	s1 =	sld [smem:$0x3FAE]  }
0x28: {  	s2 =	sld [smem:$0x3FAF]  }
0x29: {  	s4 =	sld [smem:$0x3FB1]  }
0x2a: {  	p0 =	seq.s32 s5, $0x0;
	s5 =	sld [smem:$0x3FB2]  }
0x2b: {  	s6 =	sld [smem:$0x3FB3]  }
0x2c: {  	s7 =	sld [smem:$0x3FB4]  }
0x2d: {  	s3 =	simm.s32 $0x108;
	s8 =	sld [smem:$0x3FB5]  }
0x2e: {  	s3 =	simm.s32 @!p0 $0x1082;
	s9 =	sld [smem:$0x3FB6]  }
0x2f: {  	lr =	sadd.s32 s0, s3;
	s0 =	sld [smem:$0x3FAD]  }
0x30: {  	s3 =	sld [smem:$0x3FB0]  }
0x31: {  	[smem:$0x3FB9] =	sst s10  }
0x32: {  	s10 =	sld [smem:$0x3FB7];
	_ =	sdelay $0x3  }
0x33: {  	p0 =	seq.s32 s10, $0x1;
	s10 =	sld [smem:$0x3FB9];
	_ =	sdelay $0x3  }
0x34: {  	[smem:$0x3FB9] =	sst s10  }
0x35: {  	s10 =	sld [smem:$0x3FB8];
	_ =	sdelay $0x3  }
0x36: {  	p1 =	seq.s32 s10, $0x1;
	s10 =	sld [smem:$0x3FB9];
	_ =	sdelay $0x3  }
0x37: {  	[smem:$0x3FB9] =	sst s10  }
0x38: {  	s10 =	sld [smem:$0x3FBA]  }
0x39: {  	_ = 	snop;
	(pc) =	sbr.ind lr, $3  }
0x3a: {  	_ = 	snop  }
0x3b: {  	_ = 	snop  }
0x3c: {  	p2 =	seq.s32 s10, $0x1;
	s10 =	sld [smem:$0x3FB9]  }
0x3d: {  	_ =	shalt  }
0x3e: {  	_ =	shalt  }
0x3f: {  	_ =	shalt  }
0x40: {  	_ =	shalt  }
0x41: {  	_ =	shalt  }
0x42: {  	_ =	shalt  }
0x43: {  	_ =	shalt  }
0x44: {  	_ =	shalt  }
0x45: {  	_ =	shalt  }
0x46: {  	_ =	shalt  }
0x47: {  	_ =	shalt  }
0x48: {  	_ =	shalt  }
0x49: {  	_ =	shalt  }
0x4a: {  	_ =	shalt  }
0x4b: {  	_ =	shalt  }
0x4c: {  	_ =	shalt  }
0x4d: {  	_ =	shalt  }
0x4e: {  	_ =	shalt  }
0x4f: {  	_ =	shalt  }
0x50: {  	_ =	shalt  }
0x51: {  	_ =	shalt  }
0x52: {  	_ =	shalt  }
0x53: {  	_ =	shalt  }
0x54: {  	_ =	shalt  }
0x55: {  	_ =	shalt  }
0x56: {  	_ =	shalt  }
0x57: {  	_ =	shalt  }
0x58: {  	_ =	shalt  }
0x59: {  	_ =	shalt  }
0x5a: {  	_ =	shalt  }
0x5b: {  	_ =	shalt  }
0x5c: {  	_ =	shalt  }
0x5d: {  	_ =	shalt  }
0x5e: {  	_ =	shalt  }
0x5f: {  	_ =	shalt  }
0x60: {  	_ =	shalt  }
0x61: {  	_ =	shalt  }
0x62: {  	_ =	shalt  }
0x63: {  	_ =	shalt  }
0x64: {  	_ =	shalt  }
0x65: {  	_ =	shalt  }
0x66: {  	_ =	shalt  }
0x67: {  	_ =	shalt  }
0x68: {  	_ =	shalt  }
0x69: {  	_ =	shalt  }
0x6a: {  	_ =	shalt  }
0x6b: {  	_ =	shalt  }
0x6c: {  	_ =	shalt  }
0x6d: {  	_ =	shalt  }
0x6e: {  	_ =	shalt  }
0x6f: {  	_ =	shalt  }
0x70: {  	_ =	shalt  }
0x71: {  	_ =	shalt  }
0x72: {  	_ =	shalt  }
0x73: {  	_ =	shalt  }
0x74: {  	_ =	shalt  }
0x75: {  	_ =	shalt  }
0x76: {  	_ =	shalt  }
0x77: {  	_ =	shalt  }
0x78: {  	_ =	shalt  }
0x79: {  	_ =	shalt  }
0x7a: {  	_ =	shalt  }
0x7b: {  	_ =	shalt  }
0x7c: {  	_ =	shalt  }
0x7d: {  	_ =	shalt  }
0x7e: {  	_ =	shalt  }
0x7f: {  	_ =	shalt  }
0x80: {  	_ =	shalt  }
0x81: {  	_ =	shalt  }
0x82: {  	_ =	shalt  }
0x83: {  	_ =	shalt  }
0x84: {  	_ =	shalt  }
0x85: {  	_ =	shalt  }
0x86: {  	_ =	shalt  }
0x87: {  	_ =	shalt  }
.Lfunc_end0:
.L_simem_size_0:
called_computation.3_lowered:
.L_overlay_start_0:
0x88: {  	s2 =	sld [smem:$0x3FD9]  }
0x89: {  	s3 =	sld [smem:$0x3FFE];
	_ =	sdelay $0x1  }
0x8a: {  	s1 =	srdreg.scid  }
0x8b: {  	s0 =	sand.u32 $0x1, s1  }
0x8c: {  	s16 =	sshll.u32 s0, $0xA;
	s2 =	sadd.s32 s3, s2  }
0x8d: {  	s2 =	sadd.s32 s2, s16  }
0x8e: {  	[smem:$0x3FC5] =	sst s2  }
0x8f: {  	_ = 	snop  }
0x90: {  	(tm) =	ssettm $0x1  }
0x91: {  	s17 =	sld [smem:$0x3FFB];
	_ =	sdelay $0x3  }
0x92: {  	_ =	strace s17  }
0x93: {  	s2 =	sld [smem:$0x3FFC];
	_ =	sdelay $0x3  }
0x94: {  	_ =	strace s2  }
0x95: {  	s2 =	sld [smem:$0x3FFD];
	_ =	sdelay $0x3  }
0x96: {  	_ =	strace s2  }
0x97: {  	_ =	strace $0x8FFFFFFF  }
0x98: {  	s18 =	sld [smem:$0x3FDB];
	_ =	sdelay $0x1  }
0x99: {  	s19 =	simm.s32 $_scs_section_size  }
0x9a: {  	s4 =	simm.s32 $_size__tile_overlayer_lowered;
	s5 =	simm.s32 $_tile_overlayer_lowered  }
0x9b: {  	s22 =	simm.s32 $0x1BFF;
	s21 =	sshll.u32 s5, $0x1;
	s2 =	sadd.s32 s19, s18  }
0x9c: {  	s6 =	simm.s32 $0x0;
	s20 =	sshll.u32 s4, $0x1;
	s4 =	sadd.s32 s21, s2  }
0x9d: {  	[timem:s6], [sflag:s22] =	dma.local [hbm:s4], s20  }
0x9e: {  	_ =	swait.ge [sflag:s22], s20  }
0x9f: {  	s3 =	ssub.s32 $0x0, s20;
	[sflag:s22] =	ssyncset.done $0x0  }
0xa0: {  	[sflag:s22] =	ssyncadd.s32 s3;
	_ =	sdelay $0x1  }
0xa1: {  	s23 =	simm.s32 $0x1B8B  }
0xa2: {  	_ =	swait.ge [sflag:s23], $0x1  }
0xa3: {  	[sflag:s23] =	ssyncset.done $0x0  }
0xa4: {  	s25 =	simm.s32 $0x1B8E;
	s24 =	sld [smem:$0x3FFE];
	[sflag:s23] =	ssyncadd.s32 $0xFFFFFFFF  }
0xa5: {  	s26 =	simm.s32 $execute0_lowered;
	[smem:$0x3FD2] =	sst s25  }
0xa6: {  	s4 =	sshll.u32 s26, $0x1;
	_ =	strace $0x80000052;
	[dreg:$0x1] =	wrdreg $0xFFFFFFFF  }
0xa7: {  	s28 =	simm.s32 $_size_execute0_lowered;
	s2 =	sadd.s32 s2, s4;
	[dreg:$0x0] =	wrdreg $0x0  }
0xa8: {  	s4 =	sshll.u32 s28, $0x1;
	[dreg:$0x2] =	wrdreg s2  }
0xa9: {  	[dreg:$0x3] =	wrdreg s4  }
0xaa: {  	[dreg:$0x4] =	wrdreg $0xC0  }
0xab: {  	_ =	task [dreg:s6], $0x5FFFF  }
0xac: {  	[dreg:$0x1] =	wrdreg $0xFFFFFFFF  }
0xad: {  	[dreg:$0x0] =	wrdreg $0x60  }
0xae: {  	[dreg:$0x2] =	wrdreg s24  }
0xaf: {  	[dreg:$0x3] =	wrdreg $0x9  }
0xb0: {  	_ =	task.clear_ibuf [dreg:s6], $0x4FFFF;
	_ =	strace $0x90000052  }
0xb1: {  	s29 =	simm.s32 $0x9;
	_ =	strace $0x80000054  }
0xb2: {  	_ =	swait.ge [sflag:s29], $0x1  }
0xb3: {  	[sflag:s29] =	ssyncadd.s32 $0xFFFFFFFF  }
0xb4: {  	_ =	strace $0x90000054  }
0xb5: {  	_ =	sfence  }
0xb6: {  	s30 =	sld [smem:$0x0];
	_ =	sdelay $0x2  }
0xb7: {  	s31 =	sshll.u32 s1, $0xD;
	s1 =	sshrl.u32 s1, $0x2  }
0xb8: {  	s3 =	sand.u32 $0x4000, s31;
	s1 =	sadd.s32 s1, s30  }
0xb9: {  	s0 =	sor.u32 s3, s0;
	s1 =	sshll.u32 s1, $0x11  }
0xba: {  	s0 =	sor.u32 s1, s0  }
0xbb: {  	s0 =	sadd.s32 $0x8F2B, s0  }
0xbc: {  	[sflag:s0] =	ssyncadd.remote.s32 $0x1  }
0xbd: {  	_ =	sfence.sel $0xFFFF  }
0xbe: {  	[dreg:$0x0] =	wrdreg $0xFFFFFFFF;
	(pc) =	sbr.abs _section_cstart, $3  }
0xbf: {  	[dreg:$0x1] =	wrdreg $0xFFFFFFFF  }
0xc0: {  	_ =	task.clear_ibuf [dreg:s6], $0x2FFFF;
	_ =	strace $0x9FFFFFFF  }
0xc1: {  	(tm) =	ssettm $0x7FFFFFFF  }
tec
execute0_lowered:
.L_overlay_start_1:
0x0: {  	(tag) =	ssettag $0x1  }
0x1: {  	s1 =	srdreg.scid  }
0x2: {  	s0 =	stileid.u32;
	s2 =	rddreg [dreg:$0x0];
	s6 =	simm.s32 $0x1  }
0x3: {  	s9 =	simm.s32 $0x1;
	s10 =	simm.s32 $0x3;
	s1 =	sshll.u32 s1, $0xC  }
0x4: {  	s13 =	simm.s32 $0x0;
	s3 =	sshll.u32 s0, $0xD;
	s4 =	sand.u32 $0x1000, s1  }
0x5: {  	s12 =	simm.s32 $0x0;
	s5 =	sadd.s32 $0x400000, s2;
	s3 =	sor.u32 s3, s4  }
0x6: {  	s1 =	rddreg [dreg:$0x1];
	_ =	strace $0x80000053;
	s8 =	ssub.s32 $0x40000, s3  }
.Ltmp0:
0x7: {  	s4 =	sadd.s32 $0x81C000, s2;
	s7 =	sand.u32 $0x1F000, s8;
	(pc) =	sbr.rel .LBB2_1-.Ltmp0, $4  }
0x8: {  	[sflag:s6] =	ssyncpa.u1 $0x0;
	s11 =	smov.u32 s3;
	p0 =	sne.s32 s7, $0x0  }
0x9: {  	s8 =	sshrl.u32 s8, $0x11;
	s7 =	simm.s32 $0x2;
	s9 =	simm.s32 @!p0 $0x0  }
0xa: {  	[sflag:s7] =	ssyncpa.u1 $0x0;
	p0 =	por $0x0, $0x0;
	s8 =	sadd.s32 s9, s8  }
0xb: {  	vm0 =	vmmov $0xffff;
	[sflag:s10] =	ssyncpa.u1 $0x0;
	s10 =	simm.s32 $0x0;
	s9 =	sadd.s32 $0x1, s8  }
.LBB2_4:
0xc: {  	v2 =	vnsel vm1, $0x0, v2  }
0xd: {  	vm1 =	vgt.s32 v0, $0x0;
	v2 =	vmin.u32 v2, $0x1FFFFFF  }
0xe: {  	v0 =	vnsel vm1, $0x0, v0  }
0xf: {  	v0 =	vmin.u32 v0, $0x1FFFFFF  }
0x10: {  	[tilespmem:s15], [sflag:$0x1] =	stream.indirect_vreg.gather [hbm4b:s2+s10], $0x1, v1, vm0, $0x4038;
	[tilespmem:$0x4000] =	vst v63  }
0x11: {  	(ifvalue) =	ssetifvalue $0x7FFFFFFF  }
0x12: {  	[tilespmem:s16], [sflag:$0x1] =	stream.indirect_vreg.gather [hbm4b:s2+s10], $0x1, v2, vm0, $0x4038;
	[tilespmem:$0x4000] =	vst v63  }
0x13: {  	s29 =	sadd.s32 $0x10, s16;
	(ifvalue) =	ssetifvalue $0x7FFFFFFF  }
0x14: {  	[tilespmem:s29], [sflag:$0x1] =	stream.indirect_vreg.gather [hbm4b:s2+s10], $0x1, v0, vm0, $0x4038;
	[tilespmem:$0x4000] =	vst v63  }
0x15: {  	_ =	swait.ge [sflag:s6], $0x1000  }
0x16: {  	s30 =	sshrl.u32 s13, $0x3;
	[sflag:s6] =	ssyncset.done $0x0  }
0x17: {  	s31 =	sand.u32 $0x7, s13;
	s15 =	sadd.s32 s5, s30;
	[sflag:s6] =	ssyncadd.s32 $0xFFFFF000  }
0x18: {  	[hbm4b:s15+s31] =	stream.linear.scatter [tilespmem:s14], [sflag:$0x3], $0x1000, $0x38;
	[tilespmem:$0x4000] =	vst v63  }
.LBB2_5:
0x19: {  	s15 =	sadd.s32 $0x20000, s11  }
0x1a: {  	p2 =	sgt.s32 s15, $0x3FFFF  }
0x1b: {  	s15 =	smov.u32 @p2 s3;
	p2 =	sne.s32 s12, s9  }
.Ltmp1:
0x1c: {  	p1 =	slt.u32 s12, $0x2;
	(pc) =	sbr.rel @!p2 .LBB2_6-.Ltmp1, $4  }
0x1d: {  	s14 =	simm.s32 @!p1 $0x3  }
0x1e: {  	s16 =	sadd.s32 $0x1, s12;
	_ =	swait.ge @!p1 [sflag:s14], $0x1000  }
0x1f: {  	s13 =	smov.u32 s11;
	p0 =	por !p0, !p0;
	[sflag:s14] =	ssyncset.done @!p1 $0x0  }
0x20: {  	s12 =	smov.u32 s16;
	s11 =	smov.u32 s15;
	[sflag:s14] =	ssyncadd.s32 @!p1 $0xFFFFF000  }
.LBB2_1:
0x21: {  	p1 =	sge.u32 s12, s8  }
0x22: {  	s14 =	sxor.u32 @!p1 $0xFFFFFFFF, s12  }
0x23: {  	s31 =	sadd.s32 $0xFFFFFFFF, s12;
	s15 =	sshrl.u32 @!p1 s11, $0x3;
	s14 =	sshll.u32 @!p1 s14, $0xC  }
0x24: {  	s16 =	sand.u32 @!p1 $0x7, s11;
	s15 =	sadd.s32 @!p1 s4, s15;
	s14 =	sand.u32 @!p1 $0x1000, s14  }
0x25: {  	[tilespmem:s14], [sflag:$0x2] =	stream.linear.gather @!p1 [hbm4b:s15+s16], $0x1000, $0x38;
	[tilespmem:$0x4000] =	vst v63  }
0x26: {  	p1 =	sge.u32 s31, s8  }
.Ltmp2:
0x27: {  	_ = 	snop;
	(pc) =	sbr.rel @p1 .LBB2_5-.Ltmp2, $1  }
0x28: {  	_ =	sdelay $0x3  }
0x29: {  	s14 =	simm.s32 $0x1  }
0x2a: {  	_ =	swait.ge [sflag:s7], $0x1000;
	s14 =	simm.s32 @!p0 $0x0  }
0x2b: {  	[sflag:s7] =	ssyncset.done $0x0;
	s14 =	sshll.u32 s14, $0xC  }
0x2c: {  	[sflag:s7] =	ssyncadd.s32 $0xFFFFF000;
	(ifvalue) =	ssetifvalue $0x7FFFFFFF;
	v0 =	vld.msk [tilespmem:s14+$0x0 ss:$0x1], $0xffff;
	_ =	sdelay $0x4  }
0x2d: {  	s15 =	sadd.s32 $0x10, s14;
	vm1 =	vgt.s32 v0, $0x0  }
0x2e: {  	v2 =	vld.msk [tilespmem:s15+$0x0 ss:$0x1], $0xffff;
	v1 =	vnsel vm1, $0x0, v0  }
0x2f: {  	v1 =	vmin.u32 v1, $0x1FFFFFF;
	_ =	sdelay $0x1  }
0x30: {  	s16 =	sshll.u32 s12, $0xC;
	s18 =	simm.s32 $0x20  }
0x31: {  	s16 =	sand.u32 $0x1000, s16;
	s17 =	sadd.s32 $0x10, s15;
	s15 =	sor.u32 $0x2000, s14  }
0x32: {  	s14 =	sor.u32 $0x2000, s16;
	s16 =	sadd.s32 $0x10, s15;
	v0 =	vld.msk [tilespmem:s17+$0x0 ss:$0x1], $0xffff;
	vm1 =	vgt.s32 v2, $0x0;
	(ifvalue) =	ssetifvalue $0x7FFFFFFF  }
.LBB2_3:
0x33: {  	[tilespmem:s15], [sflag:$0x1] =	stream.indirect_vreg.gather [hbm4b:s2+s10], $0x1, v1, vm0, $0x4038;
	[tilespmem:$0x4000] =	vst v63  }
0x34: {  	s18 =	sadd.s32 $0x10, s18  }
0x35: {  	v2 =	vnsel vm1, $0x0, v2;
	p1 =	slt.u32 s18, $0xFF0  }
.Ltmp3:
0x36: {  	s15 =	smov.u32 s16;
	v1 =	vmin.u32 v2, $0x1FFFFFF;
	(pc) =	sbr.rel @p1 .LBB2_3-.Ltmp3, $3  }
0x37: {  	_ =	sdelay $0x1  }
0x38: {  	s17 =	sadd.s32 $0x10, s17  }
0x39: {  	vm1 =	vgt.s32 v0, $0x0;
	s16 =	sadd.s32 $0x10, s16;
	v2 =	vmov v0;
	(ifvalue) =	ssetifvalue $0x7FFFFFFF;
	v0 =	vld.msk [tilespmem:s17+$0x0 ss:$0x1], $0xffff  }
.Ltmp4:
0x3a: {  	_ = 	snop;
	(pc) =	sbr.rel .LBB2_4-.Ltmp4, $1  }
0x3b: {  	_ =	sdelay $0x3  }
.LBB2_6:
0x3c: {  	_ =	sfence.sel $0x180000  }
0x3d: {  	s2 =	simm.s32 $0x2;
	[bflag:$0x0] =	sbarrier.arrive $0xFFFF  }
0x3e: {  	s30 =	simm.s32 $0x3;
	[sflag:s2] =	ssyncpa.u1 $0x1  }
0x3f: {  	s31 =	simm.s32 $0x1;
	[sflag:s30] =	ssyncpa.u1 $0x1  }
0x40: {  	[sflag:s31] =	ssyncpa.u1 $0x1  }
0x41: {  	p0 =	sne.s32 s0, $0x0;
	_ =	strace $0x90000053  }
0x42: {  	s0 =	sadd.s32 @!p0 $0x100000, s1;
	[bflag:$0x2] =	sbarrier.arrive $0xFFFF  }
0x43: {  	[sflag:s0] =	ssyncadd.tile.s32 @!p0 $0x1;
	_ =	shalt  }
.Lfunc_end2:
_tile_overlayer_lowered:
.L_overlay_start_2:
0x44: {  	(tag) =	ssettag $0x2  }
0x45: {  	s0 =	rddreg [dreg:$0x0];
	s2 =	stileid.u32  }
0x46: {  	s1 =	rddreg [dreg:$0x1];
	p0 =	sne.s32 s2, $0x0  }
0x47: {  	s3 =	rddreg [dreg:$0x2];
	[bflag:$0x3] =	sbarrier.arrive $0xFFFF;
	s2 =	simm.s32 @!p0 $0x1C01  }
0x48: {  	[timem:s3], [sflag:s2] =	dma.local @!p0 [hbm:s0], s1  }
0x49: {  	s0 =	simm.s32 @!p0 $0x1  }
0x4a: {  	_ =	swait.ge @!p0 [sflag:s0], s1  }
0x4b: {  	s1 =	ssub.s32 @!p0 $0x0, s1;
	[sflag:s0] =	ssyncset.done @!p0 $0x0  }
0x4c: {  	[sflag:s0] =	ssyncadd.s32 @!p0 s1  }
0x4d: {  	[bflag:$0x3] =	sbarrier.arrive $0xFFFF  }
0x4e: {  	_ =	shalt  }

// kernel: scatter_offload_async_start
scs
__scs_entry_jumppad:
0x0: {  	(pc) =	sbr.rel $0x88, $3  }
0x1: {  	(tag) =	ssettag $0x0;
	lr =	simm.s32 $0x1  }
0x2: {  	[smem:$0x3F9E] =	sst lr;
	_ =	strace $0xD0000000  }
0x3: {  	_ = 	snop  }
0x4: {  	_ = 	snop  }
0x5: {  	_ = 	snop  }
0x6: {  	_ = 	snop  }
0x7: {  	_ = 	snop  }
__scs_overlays_trampoline_lowered:
0x8: {  	[smem:$0x3FAD] =	sst s0  }
0x9: {  	[smem:$0x3FAE] =	sst s1  }
0xa: {  	[smem:$0x3FAF] =	sst s2  }
0xb: {  	[smem:$0x3FB0] =	sst s3  }
0xc: {  	[smem:$0x3FB1] =	sst s4  }
0xd: {  	[smem:$0x3FB2] =	sst s5  }
0xe: {  	[smem:$0x3FB3] =	sst s6  }
0xf: {  	[smem:$0x3FB4] =	sst s7  }
0x10: {  	[smem:$0x3FB5] =	sst s8  }
0x11: {  	[smem:$0x3FB6] =	sst s9;
	s0 =	simm.s32 @!p0 $0x0  }
0x12: {  	s1 =	sld [smem:$0x3F9C];
	s0 =	simm.s32 @p0 $0x1  }
0x13: {  	[smem:$0x3FB7] =	sst s0;
	s0 =	simm.s32 @!p1 $0x0  }
0x14: {  	s2 =	sld [smem:$0x3F9B];
	s0 =	simm.s32 @p1 $0x1  }
0x15: {  	[smem:$0x3FB8] =	sst s0;
	s0 =	simm.s32 @!p2 $0x0  }
0x16: {  	s3 =	sld [smem:$0x3FDB];
	s0 =	simm.s32 @p2 $0x1  }
0x17: {  	s4 =	simm.s32 $0x1BF5;
	[smem:$0x3FBA] =	sst s0  }
0x18: {  	s0 =	sld [smem:$0x3F9D];
	_ =	swait.ge [sflag:s4], $0x0  }
0x19: {  	s7 =	sld [smem:$0x3F9E]  }
0x1a: {  	s8 =	sadd.s32 $0xFFFFE003, lr  }
0x1b: {  	s9 =	sadd.s32 $0xFFFFFEF7, lr;
	s5 =	simm.s32 $0xFFFFFFFF;
	p2 =	slt.u32 s8, $0xFFFFF086  }
0x1c: {  	p1 =	slt.u32 s9, $0xF7A;
	s5 =	simm.s32 @!p2 $0x0  }
0x1d: {  	s5 =	simm.s32 @p1 $0x1;
	p0 =	seq.s32 s7, s2  }
0x1e: {  	s7 =	smul.u32 @!p0 $0xF7A, s2;
	p2 =	seq.s32 @!p0 s5, $0x0  }
0x1f: {  	s9 =	smul.u32 $0xF7A, s1;
	s8 =	simm.s32 @!p0 $0x1BF5;
	p2 =	por !p2, p0  }
0x20: {  	[sflag:s8] =	ssyncset.s32 @!p0 $0xFFFFF086;
	s6 =	sadd.s32 @!p0 s3, s7;
	s7 =	simm.s32 @!p0 $0x108  }
0x21: {  	s3 =	sadd.s32 s3, s9;
	s6 =	sadd.s32 @!p0 $0x88, s6;
	s7 =	simm.s32 @p2 $0x1082  }
0x22: {  	[simem:s7], [sflag:s8] =	dma.local @!p0 [hbm:s6], $0xF7A  }
0x23: {  	s9 =	sor.u32 $0xD0000000, s2;
	s6 =	simm.s32 $0x108;
	_ =	swait.ge @!p0 [sflag:s8], $0x0  }
0x24: {  	s3 =	sadd.s32 $0x88, s3;
	s6 =	simm.s32 @!p1 $0x1082;
	[sflag:s4] =	ssyncset.s32 $0xFFFFF086  }
0x25: {  	[simem:s6], [sflag:s4] =	dma.local [hbm:s3], $0xF7A  }
0x26: {  	[smem:$0x3F9E] =	sst s1;
	(tag) =	ssettag s2;
	_ =	strace s9  }
0x27: {  	s1 =	sld [smem:$0x3FAE]  }
0x28: {  	s2 =	sld [smem:$0x3FAF]  }
0x29: {  	s4 =	sld [smem:$0x3FB1]  }
0x2a: {  	p0 =	seq.s32 s5, $0x0;
	s5 =	sld [smem:$0x3FB2]  }
0x2b: {  	s6 =	sld [smem:$0x3FB3]  }
0x2c: {  	s7 =	sld [smem:$0x3FB4]  }
0x2d: {  	s3 =	simm.s32 $0x108;
	s8 =	sld [smem:$0x3FB5]  }
0x2e: {  	s3 =	simm.s32 @!p0 $0x1082;
	s9 =	sld [smem:$0x3FB6]  }
0x2f: {  	lr =	sadd.s32 s0, s3;
	s0 =	sld [smem:$0x3FAD]  }
0x30: {  	s3 =	sld [smem:$0x3FB0]  }
0x31: {  	[smem:$0x3FB9] =	sst s10  }
0x32: {  	s10 =	sld [smem:$0x3FB7];
	_ =	sdelay $0x3  }
0x33: {  	p0 =	seq.s32 s10, $0x1;
	s10 =	sld [smem:$0x3FB9];
	_ =	sdelay $0x3  }
0x34: {  	[smem:$0x3FB9] =	sst s10  }
0x35: {  	s10 =	sld [smem:$0x3FB8];
	_ =	sdelay $0x3  }
0x36: {  	p1 =	seq.s32 s10, $0x1;
	s10 =	sld [smem:$0x3FB9];
	_ =	sdelay $0x3  }
0x37: {  	[smem:$0x3FB9] =	sst s10  }
0x38: {  	s10 =	sld [smem:$0x3FBA]  }
0x39: {  	_ = 	snop;
	(pc) =	sbr.ind lr, $3  }
0x3a: {  	_ = 	snop  }
0x3b: {  	_ = 	snop  }
0x3c: {  	p2 =	seq.s32 s10, $0x1;
	s10 =	sld [smem:$0x3FB9]  }
0x3d: {  	_ =	shalt  }
0x3e: {  	_ =	shalt  }
0x3f: {  	_ =	shalt  }
0x40: {  	_ =	shalt  }
0x41: {  	_ =	shalt  }
0x42: {  	_ =	shalt  }
0x43: {  	_ =	shalt  }
0x44: {  	_ =	shalt  }
0x45: {  	_ =	shalt  }
0x46: {  	_ =	shalt  }
0x47: {  	_ =	shalt  }
0x48: {  	_ =	shalt  }
0x49: {  	_ =	shalt  }
0x4a: {  	_ =	shalt  }
0x4b: {  	_ =	shalt  }
0x4c: {  	_ =	shalt  }
0x4d: {  	_ =	shalt  }
0x4e: {  	_ =	shalt  }
0x4f: {  	_ =	shalt  }
0x50: {  	_ =	shalt  }
0x51: {  	_ =	shalt  }
0x52: {  	_ =	shalt  }
0x53: {  	_ =	shalt  }
0x54: {  	_ =	shalt  }
0x55: {  	_ =	shalt  }
0x56: {  	_ =	shalt  }
0x57: {  	_ =	shalt  }
0x58: {  	_ =	shalt  }
0x59: {  	_ =	shalt  }
0x5a: {  	_ =	shalt  }
0x5b: {  	_ =	shalt  }
0x5c: {  	_ =	shalt  }
0x5d: {  	_ =	shalt  }
0x5e: {  	_ =	shalt  }
0x5f: {  	_ =	shalt  }
0x60: {  	_ =	shalt  }
0x61: {  	_ =	shalt  }
0x62: {  	_ =	shalt  }
0x63: {  	_ =	shalt  }
0x64: {  	_ =	shalt  }
0x65: {  	_ =	shalt  }
0x66: {  	_ =	shalt  }
0x67: {  	_ =	shalt  }
0x68: {  	_ =	shalt  }
0x69: {  	_ =	shalt  }
0x6a: {  	_ =	shalt  }
0x6b: {  	_ =	shalt  }
0x6c: {  	_ =	shalt  }
0x6d: {  	_ =	shalt  }
0x6e: {  	_ =	shalt  }
0x6f: {  	_ =	shalt  }
0x70: {  	_ =	shalt  }
0x71: {  	_ =	shalt  }
0x72: {  	_ =	shalt  }
0x73: {  	_ =	shalt  }
0x74: {  	_ =	shalt  }
0x75: {  	_ =	shalt  }
0x76: {  	_ =	shalt  }
0x77: {  	_ =	shalt  }
0x78: {  	_ =	shalt  }
0x79: {  	_ =	shalt  }
0x7a: {  	_ =	shalt  }
0x7b: {  	_ =	shalt  }
0x7c: {  	_ =	shalt  }
0x7d: {  	_ =	shalt  }
0x7e: {  	_ =	shalt  }
0x7f: {  	_ =	shalt  }
0x80: {  	_ =	shalt  }
0x81: {  	_ =	shalt  }
0x82: {  	_ =	shalt  }
0x83: {  	_ =	shalt  }
0x84: {  	_ =	shalt  }
0x85: {  	_ =	shalt  }
0x86: {  	_ =	shalt  }
0x87: {  	_ =	shalt  }
.Lfunc_end0:
.L_simem_size_0:
called_computation_lowered:
.L_overlay_start_0:
0x88: {  	s0 =	sld [smem:$0x3FD9]  }
0x89: {  	s1 =	sld [smem:$0x3FFE];
	_ =	sdelay $0x3  }
0x8a: {  	s0 =	sadd.s32 s1, s0  }
0x8b: {  	[smem:$0x3FC5] =	sst s0  }
0x8c: {  	_ = 	snop  }
0x8d: {  	(tm) =	ssettm $0x1  }
0x8e: {  	s15 =	sld [smem:$0x3FFB];
	_ =	sdelay $0x3  }
0x8f: {  	_ =	strace s15  }
0x90: {  	s0 =	sld [smem:$0x3FFC];
	_ =	sdelay $0x3  }
0x91: {  	_ =	strace s0  }
0x92: {  	s0 =	sld [smem:$0x3FFD];
	_ =	sdelay $0x3  }
0x93: {  	_ =	strace s0  }
0x94: {  	_ =	strace $0x8FFFFFFF  }
0x95: {  	s16 =	sld [smem:$0x3FDB];
	_ =	sdelay $0x1  }
0x96: {  	s17 =	simm.s32 $_scs_section_size  }
0x97: {  	s2 =	simm.s32 $_size__tile_overlayer_lowered;
	s3 =	simm.s32 $_tile_overlayer_lowered  }
0x98: {  	s20 =	simm.s32 $0x1BFF;
	s19 =	sshll.u32 s3, $0x1;
	s0 =	sadd.s32 s17, s16  }
0x99: {  	s4 =	simm.s32 $0x0;
	s18 =	sshll.u32 s2, $0x1;
	s2 =	sadd.s32 s19, s0  }
0x9a: {  	[timem:s4], [sflag:s20] =	dma.local [hbm:s2], s18  }
0x9b: {  	_ =	swait.ge [sflag:s20], s18  }
0x9c: {  	s1 =	ssub.s32 $0x0, s18;
	[sflag:s20] =	ssyncset.done $0x0  }
0x9d: {  	[sflag:s20] =	ssyncadd.s32 s1;
	_ =	sdelay $0x1  }
0x9e: {  	s21 =	simm.s32 $0x1B8B  }
0x9f: {  	_ =	swait.ge [sflag:s21], $0x1  }
0xa0: {  	[sflag:s21] =	ssyncset.done $0x0  }
0xa1: {  	s23 =	simm.s32 $0x1B8E;
	s22 =	sld [smem:$0x3FFE];
	[sflag:s21] =	ssyncadd.s32 $0xFFFFFFFF  }
0xa2: {  	s24 =	simm.s32 $execute0_lowered;
	[smem:$0x3FD2] =	sst s23  }
0xa3: {  	s2 =	sshll.u32 s24, $0x1;
	_ =	strace $0x80000046;
	[dreg:$0x1] =	wrdreg $0xFFFFFFFF  }
0xa4: {  	s25 =	simm.s32 $_size_execute0_lowered;
	s0 =	sadd.s32 s0, s2;
	[dreg:$0x0] =	wrdreg $0x0  }
0xa5: {  	s2 =	sshll.u32 s25, $0x1;
	[dreg:$0x2] =	wrdreg s0  }
0xa6: {  	[dreg:$0x3] =	wrdreg s2  }
0xa7: {  	[dreg:$0x4] =	wrdreg $0xC0  }
0xa8: {  	_ =	task [dreg:s4], $0x5FFFF  }
0xa9: {  	[dreg:$0x1] =	wrdreg $0xFFFFFFFF  }
0xaa: {  	[dreg:$0x0] =	wrdreg $0x60  }
0xab: {  	[dreg:$0x2] =	wrdreg s22  }
0xac: {  	[dreg:$0x3] =	wrdreg $0x9  }
0xad: {  	_ =	task.clear_ibuf [dreg:s4], $0x4FFFF;
	_ =	strace $0x90000046  }
0xae: {  	s26 =	simm.s32 $0x9;
	_ =	strace $0x80000048  }
0xaf: {  	_ =	swait.ge [sflag:s26], $0x1  }
0xb0: {  	[sflag:s26] =	ssyncadd.s32 $0xFFFFFFFF  }
0xb1: {  	_ =	strace $0x90000048  }
0xb2: {  	_ =	sfence  }
0xb3: {  	s28 =	sld [smem:$0x0];
	_ =	sdelay $0x1  }
0xb4: {  	s29 =	srdreg.scid  }
0xb5: {  	s30 =	sshll.u32 s29, $0xD;
	s31 =	sshrl.u32 s29, $0x2  }
0xb6: {  	s1 =	sand.u32 $0x1, s29;
	s2 =	sand.u32 $0x4000, s30;
	s0 =	sadd.s32 s31, s28  }
0xb7: {  	s1 =	sor.u32 s2, s1;
	s0 =	sshll.u32 s0, $0x11  }
0xb8: {  	s0 =	sor.u32 s0, s1  }
0xb9: {  	s0 =	sadd.s32 $0x8F2B, s0  }
0xba: {  	[sflag:s0] =	ssyncadd.remote.s32 $0x1  }
0xbb: {  	_ =	sfence.sel $0xFFFF  }
0xbc: {  	[dreg:$0x0] =	wrdreg $0xFFFFFFFF;
	(pc) =	sbr.abs _section_cstart, $3  }
0xbd: {  	[dreg:$0x1] =	wrdreg $0xFFFFFFFF  }
0xbe: {  	_ =	task.clear_ibuf [dreg:s4], $0x2FFFF;
	_ =	strace $0x9FFFFFFF  }
0xbf: {  	(tm) =	ssettm $0x7FFFFFFF  }
tec
execute0_lowered:
.L_overlay_start_1:
0x0: {  	(tag) =	ssettag $0x1  }
0x1: {  	s0 =	rddreg [dreg:$0x0];
	_ =	strace $0x80000047;
	s2 =	simm.s32 $0x1  }
0x2: {  	v1 =	vimm.s32 $0xFFFFFFFF;
	[sflag:s2] =	ssyncpa.u1 $0x0  }
0x3: {  	[tilespmem:$0x10] =	vst v1  }
0x4: {  	v0 =	vimm.f32 $0.0e+00;
	[tilespmem:$0x20] =	vst v1  }
0x5: {  	[tilespmem:$0x30] =	vst v0  }
0x6: {  	[tilespmem:$0x40] =	vst v0  }
0x7: {  	s30 =	simm.s32 $0x2;
	s3 =	stileid.u32;
	s6 =	simm.s32 $0x7;
	[tilespmem:$0x50] =	vst v0  }
0x8: {  	s8 =	simm.s32 $0x8;
	s31 =	simm.s32 $0x9;
	s14 =	simm.s32 $0x0;
	[tilespmem:$0x60] =	vst v1  }
0x9: {  	s15 =	simm.s32 $0x60F0;
	s16 =	simm.s32 $0xF0;
	p0 =	por $0x0, $0x0;
	[tilespmem:$0x70] =	vst v1  }
0xa: {  	s17 =	simm.s32 $0xFFFFC100;
	s18 =	simm.s32 $0xFFFFFFFE;
	s19 =	simm.s32 $0xF;
	[tilespmem:$0x80] =	vst v1  }
0xb: {  	s20 =	simm.s32 $0x30;
	s23 =	simm.s32 $0x0;
	s21 =	simm.s32 $0x0;
	v1 =	vimm.s32 $0x0;
	[tilespmem:$0xB0] =	vst v0  }
.Ltmp0:
0xc: {  	s1 =	sadd.s32 $0x41000, s0;
	s4 =	sadd.s32 $0x31000, s0;
	[tilespmem:$0x90] =	vst v1;
	(pc) =	sbr.rel .LBB2_1-.Ltmp0, $4  }
0xd: {  	s5 =	sadd.s32 $0x39000, s0;
	s7 =	sshll.u32 s3, $0xE;
	[tilespmem:$0xA0] =	vst v1;
	[sflag:s30] =	ssyncpa.u1 $0x0  }
0xe: {  	s9 =	sshll.u32 s3, $0x1;
	s12 =	sshllo.u32 s3, $0x1;
	[sflag:s6] =	ssyncpa.u1 $0x0  }
0xf: {  	vm0 =	vmmov $0xffff;
	v2 =	vlaneseq.u32;
	s10 =	sadd.s32 $0x4000, s7;
	s11 =	sor.u32 $0x81, s9;
	[sflag:s8] =	ssyncpa.u1 $0x0  }
0x10: {  	vm1 =	vmxor vm1, vm1;
	vm2 =	vmmov $0x1;
	vm3 =	vcmask $0x3F3C;
	s13 =	sor.u32 $0x80, s9;
	s22 =	smov.u32 s7;
	[sflag:s31] =	ssyncpa.u1 $0x0  }
.LBB2_10:
0x11: {  	p1 =	slt.u32 s21, $0x3  }
0x12: {  	s0 =	simm.s32 @!p1 $0x2  }
0x13: {  	_ =	swait.ge @!p1 [sflag:s0], $0x2000  }
0x14: {  	[sflag:s0] =	ssyncset.done @!p1 $0x0  }
0x15: {  	[sflag:s0] =	ssyncadd.s32 @!p1 $0xFFFFE000;
	s0 =	simm.s32 @!p1 $0x9  }
0x16: {  	_ =	swait.ge @!p1 [sflag:s0], $0x10  }
0x17: {  	s21 =	sadd.s32 $0x1, s21;
	[sflag:s0] =	ssyncset.done @!p1 $0x0  }
0x18: {  	[sflag:s0] =	ssyncadd.s32 @!p1 $0xFFFFFFF0;
	p1 =	sne.s32 s21, $0x5  }
.Ltmp1:
0x19: {  	_ = 	snop;
	(pc) =	sbr.rel @!p1 .LBB2_11-.Ltmp1, $4  }
0x1a: {  	s23 =	sadd.s32 $0x2000, s22;
	s24 =	smov.u32 s7  }
0x1b: {  	s15 =	sadd.s32 $0x2000, s15;
	s16 =	sadd.s32 $0x2000, s16;
	p2 =	slt.s32 s23, s10  }
0x1c: {  	p0 =	por !p0, !p0;
	s17 =	sadd.s32 $0x2000, s17;
	s24 =	smov.u32 @p2 s23  }
0x1d: {  	s18 =	sadd.s32 $0x1, s18;
	s23 =	smov.u32 s22;
	s22 =	smov.u32 s24  }
.LBB2_1:
0x1e: {  	p1 =	sgt.u32 s21, $0x1  }
0x1f: {  	s0 =	sshll.u32 @!p1 s21, $0xD  }
0x20: {  	s24 =	sshrl.u32 @!p1 s22, $0x3;
	s0 =	sand.u32 @!p1 $0x3FFFE000, s0  }
0x21: {  	s25 =	sand.u32 @!p1 $0x7, s22;
	s24 =	sadd.s32 @!p1 s4, s24;
	s0 =	sor.u32 @!p1 $0x100, s0  }
0x22: {  	[tilespmem:s0], [sflag:$0x7] =	stream.linear.gather @!p1 [hbm4b:s24+s25], $0x2000, $0x38;
	[tilespmem:$0x12120] =	vst v63  }
0x23: {  	s0 =	sadd.s32 $0xFFFFFFFF, s21  }
0x24: {  	p1 =	sgt.u32 s0, $0x1  }
.Ltmp2:
0x25: {  	_ = 	snop;
	(pc) =	sbr.rel @p1 .LBB2_5-.Ltmp2, $1  }
0x26: {  	_ =	sdelay $0x3  }
0x27: {  	_ =	swait.ge [sflag:s6], $0x2000;
	s24 =	sshll.u32 s0, $0xD  }
0x28: {  	[sflag:s6] =	ssyncset.done $0x0;
	s0 =	sor.u32 $0x100, s24  }
0x29: {  	[sflag:s6] =	ssyncadd.s32 $0xFFFFE000;
	(ifvalue) =	ssetifvalue $0xFFFFFFFF;
	v3 =	vld.msk [tilespmem:s0+$0x0 ss:$0x1], $0xffff;
	_ =	sdelay $0x2  }
0x2a: {  	p1 =	sne.s32 s21, $0x1  }
0x2b: {  	v4 =	vimm.s32 @!p1 $0x0  }
0x2c: {  	v4 =	vperm.xlane @!p1 v3, v4  }
0x2d: {  	s31 =	sshll.u32 s21, $0x4;
	vm4 =	vlt.u32 v3, $0x2000000  }
0x2e: {  	s0 =	sand.u32 $0x10, s31;
	v3 =	vnsel vm4, $0xFFFFFFFE, v3;
	vm4 =	vlt.u32 @!p1 v4, $0x2000000  }
0x2f: {  	[tilespmem:s0+$0x60] =	vst v3;
	v3 =	vnsel @!p1 vm4, $0xFFFFFFFE, v4  }
0x30: {  	[tilespmem:$0x80] =	vst @!p1 v3  }
0x31: {  	v3 =	vld.msk [tilespmem:s16+$0x0 ss:$0x1], $0xffff;
	_ =	sdelay $0x4  }
0x32: {  	(xrf1) =	vunique.msk.u32 $0xffff, v3;
	_ =	sdelay $0xd  }
0x33: {  	v4 =	vimm.s32 $0xFFFFFFFF;
	v5, _, _ =	vpop (xrf1)  }
0x34: {  	vm5 =	vne.s32 v3, v4;
	vm4 =	veq.s32 v5, v2  }
0x35: {  	vm6 =	vlt.u32 v3, $0x2000000;
	vm4 =	vmand vm5, vm4  }
0x36: {  	vm4 =	vmand vm6, vm4  }
0x37: {  	v4 =	vnsel vm4, $0xFFFFFFFF, v3;
	_ =	sdelay $0x3  }
0x38: {  	(ifvalue) =	ssetifvalue $0xFFFFFFFF  }
0x39: {  	v3 =	vperm.xlane v3, v1;
	[tilespmem:s15], [sflag:$0x8] =	stream.indirect_vreg.gather [hbm4b:s1+s14], $0x1, v4, vm0, $0x4038;
	v4 =	vnsel vm6, $0xFFFFFFFE, v4;
	[tilespmem:$0x12120] =	vst v63  }
0x3a: {  	s25 =	simm.s32 $0x0;
	s26 =	sadd.s32 $0xFFFFFFF0, s16;
	s0 =	smov.u32 s15;
	[tilespmem:s16+$0x0] =	vst v4  }
.LBB2_3:
0x3b: {  	v4 =	vld.msk [tilespmem:s26+$0x0 ss:$0x1], $0xffff;
	s25 =	sadd.s32 $0x10, s25;
	v5 =	vmov v3;
	s28 =	smov.u32 s26  }
0x3c: {  	p1 =	slt.u32 s25, $0x1FF0;
	_ =	sdelay $0x4  }
0x3d: {  	v3 =	vperm.xlane v4, v1;
	(xrf1) =	vunique.msk.u32 $0xffff, v4;
	_ =	sdelay $0xd  }
0x3e: {  	v6, _, _ =	vpop (xrf1)  }
0x3f: {  	vm5 =	vne.s32 v4, v5;
	vm4 =	veq.s32 v6, v2  }
0x40: {  	vm6 =	vlt.u32 v4, $0x2000000;
	vm4 =	vmand vm5, vm4  }
0x41: {  	vm4 =	vmand vm6, vm4  }
0x42: {  	v4 =	vnsel vm4, $0xFFFFFFFF, v4  }
.Ltmp3:
0x43: {  	v5 =	vnsel vm6, $0xFFFFFFFE, v4;
	(pc) =	sbr.rel @p1 .LBB2_3-.Ltmp3, $3  }
0x44: {  	_ =	sdelay $0x1  }
0x45: {  	s26 =	sadd.s32 $0xFFFFFFF0, s26;
	s0 =	sadd.s32 $0xFFFFFFF0, s0;
	(ifvalue) =	ssetifvalue $0xFFFFFFFF  }
0x46: {  	[tilespmem:s0], [sflag:$0x8] =	stream.indirect_vreg.gather [hbm4b:s1+s14], $0x1, v4, vm0, $0x4038;
	[tilespmem:s28+$0x0] =	vst v5  }
0x47: {  	s0 =	sshrl.u32 s23, $0x3  }
0x48: {  	s31 =	sadd.s32 $0xA100, s24;
	s0 =	sadd.s32 s5, s0  }
0x49: {  	[tilespmem:s31], [sflag:$0x8] =	stream.linear.gather [hbm:s0], $0x2000, $0x38;
	[tilespmem:$0x12120] =	vst v63  }
.LBB2_5:
0x4a: {  	p1 =	sgt.u32 s21, $0x4  }
.Ltmp4:
0x4b: {  	_ = 	snop;
	(pc) =	sbr.rel @p1 .LBB2_7-.Ltmp4, $1  }
0x4c: {  	_ =	sdelay $0x3  }
0x4d: {  	s0 =	sshll.u32 s2, s21  }
0x4e: {  	s0 =	sand.u32 $0x13, s0  }
0x4f: {  	p1 =	sne.s32 s0, $0x0  }
.Ltmp5:
0x50: {  	_ = 	snop;
	(pc) =	sbr.rel @p1 .LBB2_10-.Ltmp5, $1  }
0x51: {  	_ =	sdelay $0x3  }
.LBB2_7:
0x52: {  	s0 =	sadd.s32 $0xFFFFFFFE, s21  }
0x53: {  	s23 =	smulhi.u32 $0xAAAAAAAB, s0;
	_ =	sdelay $0x1  }
0x54: {  	s23 =	sshrl.u32 s23, $0x1  }
0x55: {  	s23 =	smul.u32 $0x3, s23;
	_ =	sdelay $0x1  }
0x56: {  	_ =	swait.ge [sflag:s8], $0x4000;
	s0 =	ssub.s32 s0, s23  }
0x57: {  	p1 =	sne.s32 s21, $0x3;
	[sflag:s8] =	ssyncset.done $0x0;
	s0 =	sshll.u32 s0, $0xD  }
0x58: {  	[sflag:s8] =	ssyncadd.s32 $0xFFFFC000;
	s23 =	sadd.s32 @!p1 $0x20FF, s0  }
0x59: {  	[spmem:s11] =	stream.linear.scatter @!p1 [tilespmem:s23], [sflag:$0x1], $0x1, $0x38;
	[tilespmem:$0x12120] =	vst v63  }
0x5a: {  	s23 =	simm.s32 @!p1 $0x1  }
0x5b: {  	_ =	swait.ge @!p1 [sflag:s23], $0x1  }
0x5c: {  	s24 =	sshll.u32 s21, $0x4;
	[sflag:s23] =	ssyncset.done @!p1 $0x0  }
0x5d: {  	[sflag:s23] =	ssyncadd.s32 @!p1 $0xFFFFFFFF;
	s23 =	sand.u32 $0x10, s24  }
0x5e: {  	v4 =	vld [tilespmem:s23+$0x10];
	s29 =	sxor.u32 $0x10, s23  }
0x5f: {  	v5 =	vld [tilespmem:s29+$0x60]  }
0x60: {  	v3 =	vld [tilespmem:$0x80];
	_ =	sdelay $0x2  }
0x61: {  	(v2sf) =	vpush v4, $0x0  }
0x62: {  	(v2sf) =	vpush v5, $0x0  }
0x63: {  	(v2sf) =	vpush v3, $0x0;
	_ =	sdelay $0xc  }
0x64: {  	s24 =	spop (v2sf)  }
0x65: {  	s26 =	spop (v2sf)  }
0x66: {  	s25 =	spop (v2sf)  }
0x67: {  	p2 =	seq.s32 s24, s26;
	p3 =	seq.s32 s25, s24  }
0x68: {  	p3 =	por p2, p3  }
0x69: {  	v4 =	vpsel p3, $0xFFFFFFFF, v4  }
0x6a: {  	s24 =	sand.u32 $0x1, s21;
	[tilespmem:s23+$0x10] =	vst.msk $0x1, v4  }
0x6b: {  	s26 =	sshll.u32 s24, $0xD;
	v4 =	vld [tilespmem:$0x30]  }
0x6c: {  	v5 =	vld [tilespmem:s26+$0xA100]  }
0x6d: {  	v6 =	vld [tilespmem:s23+$0x40];
	_ =	sdelay $0x3  }
0x6e: {  	vm4 =	vmmov vm1;
	v5 =	vadd.f32 v5, v4  }
0x6f: {  	vm5 =	vmmov vm2;
	vm4 =	vmmov @p2 vm2;
	s24 =	sshll.u32 s24, $0x4;
	v4 =	vadd.f32 v6, v4  }
0x70: {  	vm5 =	vmmov @p3 vm1;
	s24 =	sor.u32 $0x12100, s24;
	[tilespmem:s26+$0xA100] =	vst.msk vm4, v5  }
0x71: {  	[tilespmem:s24+$0x0] =	vst.msk vm5, v4  }
0x72: {  	v4 =	vld [tilespmem:s26+$0x80F0];
	_ =	sdelay $0x3  }
0x73: {  	v5 =	vimm.f32 $0.0e+00  }
0x74: {  	v4 =	vshift.insert v4, v5, s19  }
0x75: {  	s28 =	sor.u32 $0x40, s29  }
0x76: {  	[tilespmem:s28+$0x0] =	vst.msk $0x1, v4  }
0x77: {  	[tilespmem:s26+$0x80FF] =	vst.msk $0x1, v5  }
0x78: {  	v4 =	vld [tilespmem:s0+$0x20F0];
	_ =	sdelay $0x1  }
0x79: {  	s0 =	smulhi.u32 $0xAAAAAAAB, s18;
	_ =	sdelay $0x1  }
0x7a: {  	s28 =	simm.s32 $0x1;
	s0 =	sshrl.u32 s0, $0x1  }
0x7b: {  	s28 =	simm.s32 @!p0 $0x0;
	s0 =	smul.u32 $0xFFFE8000, s0;
	v4 =	vshift.insert v4, v1, s19  }
0x7c: {  	s30 =	sshll.u32 s28, $0xD  }
0x7d: {  	s28 =	sadd.s32 $0xA100, s30;
	s0 =	sshra.s32 s0, $0x2;
	[tilespmem:s29+$0x10] =	vst.msk $0x1, v4  }
0x7e: {  	s0 =	sadd.s32 s0, s17;
	v6 =	vld [tilespmem:s28+$0x0]  }
0x7f: {  	v7 =	vld [tilespmem:s0+$0x0];
	_ =	sdelay $0x3  }
0x80: {  	v5 =	vadd.f32 v6, v5  }
0x81: {  	vm4 =	vne.s32 v7, $0xFFFFFFFF  }
0x82: {  	(xrf2) =	vadd.seg.scan.f32 vm4, v5;
	_ =	sdelay $0x3  }
0x83: {  	s29 =	sadd.s32 $0x6100, s30;
	v5 =	vperm.xlane v4, v1  }
0x84: {  	v6 =	vld [tilespmem:s29+$0x0]  }
0x85: {  	vm5 =	veq.s32 v7, v3;
	vm6 =	veq.s32 v7, v5  }
0x86: {  	vm7 =	vgt.u32 v7, $0xFFFFFFFD;
	vm6 =	vmor vm6, vm5  }
0x87: {  	vm6 =	vmor vm6, vm7  }
0x88: {  	v9 =	vld [tilespmem:$0xA0];
	v7 =	vsel vm6, $0xFFFFFFFF, v7  }
0x89: {  	v10 =	vld [tilespmem:$0x90];
	v6 =	vsel vm5, $0x0, v6;
	v8, _, _ =	vpop (xrf2)  }
0x8a: {  	v6 =	vadd.f32 v8, v6  }
0x8b: {  	s30 =	sadd.s32 $0xE100, s30  }
0x8c: {  	vm4 =	vmand vm4, vm3;
	[tilespmem:s30+$0x0] =	vst v6;
	(ifvalue) =	ssetifvalue $0xFFFFFFFF  }
0x8d: {  	vm6 =	veq.s32 v9, $0x1;
	[hbm4b:s1+s14] =	stream.indirect_vreg.scatter [tilespmem:s30], [sflag:$0x2], $0x1, v7, vm0, $0x4038;
	v7 =	vsel vm4, $0x0, v8;
	[tilespmem:$0x12120] =	vst v63  }
0x8e: {  	s31 =	simm.s32 $0x0;
	s0 =	sadd.s32 $0x10, s0;
	vm4 =	vmor vm6, vm5;
	v6 =	vsel vm5, v8, v10;
	v7 =	vshift.insert v7, v0, s19  }
.LBB2_8:
0x8f: {  	v8 =	vld [tilespmem:s0+$0x0];
	s28 =	sadd.s32 $0x10, s28  }
0x90: {  	s29 =	sadd.s32 $0x10, s29;
	v9 =	vld [tilespmem:s28+$0x0]  }
0x91: {  	s31 =	sadd.s32 $0x10, s31;
	v10 =	vld [tilespmem:s29+$0x0]  }
0x92: {  	p2 =	slt.u32 s31, $0x1FF0;
	_ =	sdelay $0x2  }
0x93: {  	v7 =	vadd.f32 v9, v7  }
0x94: {  	vm5 =	vne.s32 v8, $0xFFFFFFFF  }
0x95: {  	vm6 =	vmand vm5, vm3;
	(xrf2) =	vadd.seg.scan.f32 vm5, v7;
	_ =	sdelay $0x5  }
0x96: {  	vm7 =	veq.s32 v8, v5;
	vm5 =	veq.s32 v8, v3  }
0x97: {  	vm8 =	vgt.u32 v8, $0xFFFFFFFD;
	vm4 =	vmor vm4, vm5;
	vm7 =	vmor vm7, vm5  }
0x98: {  	vm7 =	vmor vm7, vm8  }
0x99: {  	v8 =	vsel vm7, $0xFFFFFFFF, v8  }
.Ltmp6:
0x9a: {  	v7 =	vsel vm5, $0x0, v10;
	v9, _, _ =	vpop (xrf2);
	(pc) =	sbr.rel @p2 .LBB2_8-.Ltmp6, $4  }
0x9b: {  	v6 =	vsel vm5, v9, v6;
	v10 =	vadd.f32 v9, v7;
	v7 =	vsel vm6, $0x0, v9  }
0x9c: {  	s30 =	sadd.s32 $0x10, s30;
	v7 =	vshift.insert v7, v0, s19  }
0x9d: {  	s0 =	sadd.s32 $0x10, s0;
	[tilespmem:s30+$0x0] =	vst v10;
	(ifvalue) =	ssetifvalue $0xFFFFFFFF  }
0x9e: {  	[hbm4b:s1+s14] =	stream.indirect_vreg.scatter [tilespmem:s30], [sflag:$0x2], $0x1, v8, vm0, $0x4038;
	[tilespmem:$0x12120] =	vst v63  }
0x9f: {  	v3 =	vld [tilespmem:s26+$0x100F0];
	_ =	sdelay $0x4  }
0xa0: {  	v3 =	vshift.insert v3, v0, s19;
	_ =	sdelay $0x1  }
0xa1: {  	[tilespmem:s20+$0x0] =	vst.msk $0x1, v3  }
0xa2: {  	v3 =	vsel vm4, $0x1, v1;
	[tilespmem:$0x90] =	vst v6  }
0xa3: {  	s0 =	sadd.s32 @!p1 $0x100FF, s26;
	[tilespmem:$0xA0] =	vst v3  }
0xa4: {  	[spmem:s12] =	stream.linear.scatter @!p1 [tilespmem:s0], [sflag:$0x1], $0x1, $0x38;
	[tilespmem:$0x12120] =	vst v63  }
0xa5: {  	s0 =	simm.s32 @!p1 $0x1  }
0xa6: {  	v3 =	vmctz.xlane @!p1 vm4;
	_ =	swait.ge @!p1 [sflag:s0], $0x1  }
0xa7: {  	(v2sf) =	vpush @!p1 v4, $0x0  }
0xa8: {  	(v2sf) =	vpush @!p1 v3, $0x0;
	_ =	sdelay $0xd  }
0xa9: {  	s26 =	spop @!p1 (v2sf)  }
0xaa: {  	s28 =	spop @!p1 (v2sf)  }
0xab: {  	p2 =	sne.s32 @!p1 s25, s26;
	p3 =	slt.s32 @!p1 s28, $0xF  }
0xac: {  	[sflag:s0] =	ssyncset.done @!p1 $0x0;
	p2 =	por p2, p1;
	p3 =	por !p3, p1  }
0xad: {  	[sflag:s0] =	ssyncadd.s32 @!p1 $0xFFFFFFFF;
	v3 =	vimm.s32 @!p2 $0xFFFFFFFF;
	s28 =	simm.s32 @p3 $0xF  }
0xae: {  	[tilespmem:$0x80] =	vst @!p2 v3;
	s25 =	sadd.s32 @!p1 $0x90, s28  }
0xaf: {  	[spmem:s9] =	stream.linear.scatter @!p1 [tilespmem:s25], [sflag:$0x1], $0x1, $0x38;
	[tilespmem:$0x12120] =	vst v63  }
0xb0: {  	_ =	swait.ge @!p1 [sflag:s0], $0x1  }
0xb1: {  	[sflag:s0] =	ssyncset.done @!p1 $0x0  }
0xb2: {  	s25 =	simm.s32 @!p1 $0x80;
	[sflag:s0] =	ssyncadd.s32 @!p1 $0xFFFFFFFF  }
0xb3: {  	[spmem:s13] =	stream.linear.scatter @!p1 [tilespmem:s25], [sflag:$0x1], $0x1, $0x38;
	[tilespmem:$0x12120] =	vst v63  }
0xb4: {  	_ =	swait.ge @!p1 [sflag:s0], $0x1  }
0xb5: {  	[sflag:s0] =	ssyncset.done @!p1 $0x0  }
0xb6: {  	[sflag:s0] =	ssyncadd.s32 @!p1 $0xFFFFFFFF;
	(ifvalue) =	ssetifvalue $0xFFFFFFFF;
	v3 =	vld [tilespmem:s23+$0x10];
	_ =	sdelay $0x3  }
.Ltmp7:
0xb7: {  	_ = 	snop;
	(pc) =	sbr.rel .LBB2_10-.Ltmp7, $3  }
0xb8: {  	_ =	sdelay $0x1  }
0xb9: {  	(ifvalue) =	ssetifvalue $0xFFFFFFFF  }
0xba: {  	[hbm4b:s1+s14] =	stream.indirect_vreg.scatter [tilespmem:s24], [sflag:$0x9], $0x1, v3, vm0, $0x4038;
	[tilespmem:$0x12120] =	vst v63  }
.LBB2_11:
0xbb: {  	_ =	sfence.sel $0x180000  }
0xbc: {  	s0 =	simm.s32 $0x7;
	[bflag:$0x0] =	sbarrier.arrive $0xFFFF  }
0xbd: {  	s26 =	simm.s32 $0x8;
	[sflag:s0] =	ssyncpa.u1 $0x1  }
0xbe: {  	s28 =	simm.s32 $0x9;
	[sflag:s26] =	ssyncpa.u1 $0x1  }
0xbf: {  	[sflag:s28] =	ssyncpa.u1 $0x1  }
0xc0: {  	_ =	sfence.stream.spmem  }
0xc1: {  	s29 =	simm.s32 $0x3;
	[bflag:$0x0] =	sbarrier.arrive $0xFFFF  }
0xc2: {  	s30 =	simm.s32 $0x4;
	[sflag:s29] =	ssyncpa.u1 $0x1  }
0xc3: {  	s31 =	simm.s32 $0x3C;
	[sflag:s30] =	ssyncpa.u1 $0x1  }
0xc4: {  	p0 =	sne.s32 s3, $0x0;
	[sflag:s31] =	ssyncpa.u1 $0x1  }
0xc5: {  	s0 =	simm.s32 @p0 $0x1;
	_ =	sfence @p0  }
0xc6: {  	[sflag:s0] =	ssyncpa.u1 @p0 $0x1;
	s0 =	simm.s32 @p0 $0x2  }
0xc7: {  	[sflag:s0] =	ssyncpa.u1 @p0 $0x1  }
0xc8: {  	_ =	strace @p0 $0x90000047  }
0xc9: {  	[bflag:$0x2] =	sbarrier.arrive @p0 $0xFFFF  }
0xca: {  	_ =	shalt @p0  }
.LBB2_12:
0xcb: {  	_ =	sfence.stream.spmem;
	s0 =	simm.s32 $0x5  }
0xcc: {  	s2 =	simm.s32 $0x80;
	s3 =	simm.s32 $0xC0;
	[sflag:s0] =	ssyncpa.u1 $0x0  }
0xcd: {  	[tilespmem:s3], [sflag:$0x5] =	stream.linear.gather [spmem:s2], $0x20, $0x38;
	[tilespmem:$0x12120] =	vst v63  }
0xce: {  	s2 =	simm.s32 $0x0;
	s3 =	simm.s32 $0xE0  }
0xcf: {  	[tilespmem:s3], [sflag:$0x5] =	stream.linear.gather [spmem:s2], $0x20, $0x38;
	[tilespmem:$0x12120] =	vst v63  }
.Ltmp8:
0xd0: {  	_ = 	snop;
	(pc) =	sbr.rel .LBB2_13-.Ltmp8, $4  }
0xd1: {  	_ =	swait.ge [sflag:s0], $0x40  }
0xd2: {  	[sflag:s0] =	ssyncset.done $0x0  }
0xd3: {  	s31 =	simm.s32 $0x6;
	[sflag:s0] =	ssyncadd.s32 $0xFFFFFFC0  }
0xd4: {  	s4 =	simm.s32 $0x0;
	[sflag:s31] =	ssyncpa.u1 $0x0  }
.LBB2_18:
0xd5: {  	p0 =	sgt.u32 s5, $0x1FFFFFF  }
0xd6: {  	s0 =	sshrl.u32 @!p0 s5, $0x3  }
0xd7: {  	s5 =	sand.u32 @!p0 $0x7, s5;
	s6 =	simm.s32 @!p0 $0xB0;
	s0 =	sadd.s32 @!p0 s1, s0  }
0xd8: {  	[tilespmem:s6], [sflag:$0x6] =	stream.linear.gather @!p0 [hbm4b:s0+s5], $0x1, $0x38;
	[tilespmem:$0x12120] =	vst v63  }
0xd9: {  	s0 =	simm.s32 @!p0 $0x6  }
0xda: {  	_ =	swait.ge @!p0 [sflag:s0], $0x1  }
0xdb: {  	[sflag:s0] =	ssyncset.done @!p0 $0x0  }
0xdc: {  	[sflag:s0] =	ssyncadd.s32 @!p0 $0xFFFFFFFF  }
0xdd: {  	v2 =	vmov @!p0 s4;
	v1 =	vld.msk @!p0 [tilespmem:$0xB0], $0x1;
	_ =	sdelay $0x3  }
0xde: {  	s0 =	simm.s32 @!p0 $0xE0  }
0xdf: {  	[tilespmem:v2+s0+$0x0], v1 =	vst.idx.ret.add.f32.msk @!p0 $0x1, v1  }
0xe0: {  	[tilespmem:s2+$0xC0] =	vst.msk $0x1, v0  }
0xe1: {  	v0 =	vld.msk [tilespmem:s4+$0xE0], $0x1;
	_ =	sdelay $0x4  }
0xe2: {  	[tilespmem:s2+$0xE0] =	vst.msk $0x1, v0;
	s2 =	sadd.s32 $0x1, s2  }
.LBB2_20:
0xe3: {  	s4 =	sadd.s32 $0x1, s4  }
0xe4: {  	p0 =	sne.s32 s4, $0x20  }
.Ltmp9:
0xe5: {  	_ = 	snop;
	(pc) =	sbr.rel @!p0 .LBB2_21-.Ltmp9, $1  }
0xe6: {  	_ =	sdelay $0x3  }
.LBB2_13:
0xe7: {  	v0 =	vld.msk [tilespmem:s4+$0xC0], $0x1;
	_ =	sdelay $0x4  }
0xe8: {  	(v2sf) =	vpush v0, $0x0;
	_ =	sdelay $0xe  }
0xe9: {  	s5 =	spop (v2sf)  }
0xea: {  	p0 =	seq.s32 s5, $0xFFFFFFFF  }
.Ltmp10:
0xeb: {  	_ = 	snop;
	(pc) =	sbr.rel @p0 .LBB2_20-.Ltmp10, $1  }
0xec: {  	_ =	sdelay $0x3  }
0xed: {  	p0 =	slt.s32 s2, $0x1  }
.Ltmp11:
0xee: {  	_ = 	snop;
	(pc) =	sbr.rel @p0 .LBB2_18-.Ltmp11, $1  }
0xef: {  	_ =	sdelay $0x3  }
0xf0: {  	s6 =	simm.s32 $0xC0;
	p0 =	por $0x0, $0x0  }
0xf1: {  	v1 =	vld.msk @!p0 [tilespmem:s6+$0x0], $0x1;
	_ =	sdelay $0x4  }
0xf2: {  	(v2sf) =	vpush @!p0 v1, $0x0;
	_ =	sdelay $0xd  }
0xf3: {  	p2 =	sne.s32 s2, $0x1  }
.Ltmp12:
0xf4: {  	s0 =	spop @!p0 (v2sf);
	(pc) =	sbr.rel @!p2 .LBB2_17-.Ltmp12, $4  }
0xf5: {  	p1 =	seq.s32 @!p0 s5, s0  }
0xf6: {  	s0 =	simm.s32 $0x0;
	p1 =	por !p1, p0  }
0xf7: {  	s8 =	simm.s32 $0xFFFFFFFF;
	s0 =	simm.s32 @p1 $0xFFFFFFFF  }
0xf8: {  	s7 =	simm.s32 $0x1;
	s0 =	smov.u32 @p0 s8  }
.LBB2_16:
0xf9: {  	s8 =	smov.u32 s0;
	p0 =	sne.s32 s0, $0xFFFFFFFF  }
0xfa: {  	s6 =	sadd.s32 $0x1, s6;
	s0 =	smov.u32 s7;
	s7 =	sadd.s32 $0x1, s7  }
0xfb: {  	p1 =	sne.s32 s2, s7;
	v1 =	vld.msk @!p0 [tilespmem:s6+$0x0], $0x1;
	_ =	sdelay $0x4  }
0xfc: {  	(v2sf) =	vpush @!p0 v1, $0x0;
	_ =	sdelay $0xe  }
.Ltmp13:
0xfd: {  	s9 =	spop @!p0 (v2sf);
	(pc) =	sbr.rel @p1 .LBB2_16-.Ltmp13, $4  }
0xfe: {  	p2 =	seq.s32 @!p0 s5, s9  }
0xff: {  	p2 =	por !p2, p0  }
0x100: {  	s0 =	simm.s32 @p2 $0xFFFFFFFF  }
0x101: {  	s0 =	smov.u32 @p0 s8  }
.LBB2_17:
0x102: {  	p0 =	sne.s32 s0, $0xFFFFFFFF  }
.Ltmp14:
0x103: {  	_ = 	snop;
	(pc) =	sbr.rel @!p0 .LBB2_18-.Ltmp14, $1  }
0x104: {  	_ =	sdelay $0x3  }
0x105: {  	v0 =	vld.msk [tilespmem:s4+$0xE0], $0x1;
	v1 =	vmov s0  }
.Ltmp15:
0x106: {  	_ = 	snop;
	(pc) =	sbr.rel .LBB2_20-.Ltmp15, $2  }
0x107: {  	_ =	sdelay $0x2  }
0x108: {  	[tilespmem:v1+s3+$0x0], v0 =	vst.idx.ret.add.f32.msk $0x1, v0  }
.LBB2_21:
0x109: {  	p0 =	slt.s32 s2, $0x1  }
.Ltmp16:
0x10a: {  	_ = 	snop;
	(pc) =	sbr.rel @p0 .LBB2_25-.Ltmp16, $3  }
0x10b: {  	_ =	sdelay $0x1  }
0x10c: {  	s0 =	simm.s32 $0x6  }
0x10d: {  	s3 =	simm.s32 $0x0;
	[sflag:s0] =	ssyncpa.u1 $0x1  }
0x10e: {  	s0 =	simm.s32 $0xC0  }
0x10f: {  	v0 =	vld.msk [tilespmem:s0+$0x0], $0x1;
	_ =	sdelay $0x4  }
0x110: {  	(v2sf) =	vpush v0, $0x0;
	_ =	sdelay $0xe  }
0x111: {  	s2 =	sadd.s32 $0xFFFFFFFF, s2;
	s4 =	spop (v2sf)  }
0x112: {  	p1 =	sne.s32 s2, $0x0;
	p0 =	sgt.u32 s4, $0x1FFFFFF  }
.Ltmp17:
0x113: {  	s5 =	sshrl.u32 @!p0 s4, $0x3;
	(pc) =	sbr.rel @!p1 .LBB2_24-.Ltmp17, $4  }
0x114: {  	s0 =	simm.s32 $0xE0;
	s4 =	sand.u32 @!p0 $0x7, s4;
	s5 =	sadd.s32 @!p0 s1, s5  }
0x115: {  	[hbm4b:s5+s4] =	stream.linear.scatter @!p0 [tilespmem:s0], [sflag:$0x5], $0x1, $0x38;
	[tilespmem:$0x12120] =	vst v63  }
0x116: {  	s5 =	simm.s32 $0x0  }
0x117: {  	s4 =	simm.s32 $0xC1;
	s5 =	simm.s32 @!p0 $0x4  }
.LBB2_23:
0x118: {  	v0 =	vld.msk [tilespmem:s4+$0x0], $0x1;
	s2 =	sadd.s32 $0xFFFFFFFF, s2;
	s3 =	sadd.s32 s3, s5  }
0x119: {  	p0 =	sne.s32 s2, $0x0;
	_ =	sdelay $0x3  }
0x11a: {  	(v2sf) =	vpush v0, $0x0;
	_ =	sdelay $0xe  }
.Ltmp18:
0x11b: {  	s6 =	spop (v2sf);
	(pc) =	sbr.rel @p0 .LBB2_23-.Ltmp18, $4  }
0x11c: {  	s5 =	simm.s32 $0x0;
	p1 =	sgt.u32 s6, $0x1FFFFFF  }
0x11d: {  	s0 =	sadd.s32 $0x1, s0;
	s5 =	simm.s32 @!p1 $0x4;
	s7 =	sshrl.u32 @!p1 s6, $0x3  }
0x11e: {  	s4 =	sadd.s32 $0x1, s4;
	s6 =	sand.u32 @!p1 $0x7, s6;
	s7 =	sadd.s32 @!p1 s1, s7  }
0x11f: {  	[hbm4b:s7+s6] =	stream.linear.scatter @!p1 [tilespmem:s0], [sflag:$0x5], $0x1, $0x38;
	[tilespmem:$0x12120] =	vst v63  }
.LBB2_24:
0x120: {  	s0 =	sadd.s32 s3, s5  }
0x121: {  	s3 =	sshrl.u32 s0, $0x2  }
.LBB2_25:
0x122: {  	s0 =	simm.s32 $0x5  }
0x123: {  	_ =	swait.ge [sflag:s0], s3  }
0x124: {  	s1 =	ssub.s32 $0x0, s3;
	[sflag:s0] =	ssyncset.done $0x0  }
0x125: {  	[sflag:s0] =	ssyncadd.s32 s1  }
0x126: {  	[sflag:s0] =	ssyncpa.u1 $0x1  }
0x127: {  	s29 =	simm.s32 $0x1;
	_ =	sfence  }
0x128: {  	s30 =	simm.s32 $0x2;
	[sflag:s29] =	ssyncpa.u1 $0x1  }
0x129: {  	[sflag:s30] =	ssyncpa.u1 $0x1  }
0x12a: {  	_ =	strace $0x90000047  }
0x12b: {  	[bflag:$0x2] =	sbarrier.arrive $0xFFFF  }
0x12c: {  	s31 =	rddreg [dreg:$0x1]  }
0x12d: {  	s0 =	sadd.s32 $0x100000, s31  }
0x12e: {  	[sflag:s0] =	ssyncadd.tile.s32 $0x1;
	_ =	shalt  }
.Lfunc_end2:
_tile_overlayer_lowered:
.L_overlay_start_2:
0x12f: {  	(tag) =	ssettag $0x2  }
0x130: {  	s0 =	rddreg [dreg:$0x0];
	s2 =	stileid.u32  }
0x131: {  	s1 =	rddreg [dreg:$0x1];
	p0 =	sne.s32 s2, $0x0  }
0x132: {  	s3 =	rddreg [dreg:$0x2];
	[bflag:$0x3] =	sbarrier.arrive $0xFFFF;
	s2 =	simm.s32 @!p0 $0x1C01  }
0x133: {  	[timem:s3], [sflag:s2] =	dma.local @!p0 [hbm:s0], s1  }
0x134: {  	s0 =	simm.s32 @!p0 $0x1  }
0x135: {  	_ =	swait.ge @!p0 [sflag:s0], s1  }
0x136: {  	s1 =	ssub.s32 @!p0 $0x0, s1;
	[sflag:s0] =	ssyncset.done @!p0 $0x0  }
0x137: {  	[sflag:s0] =	ssyncadd.s32 @!p0 s1  }
0x138: {  	[bflag:$0x3] =	sbarrier.arrive $0xFFFF  }
0x139: {  	_ =	shalt  }

// kernel: sparse-core-data-format-call.1.cloned.1.call-start
scs
called_computation.2_lowered:
.L_overlay_start_0:
0x0: {  	s2 =	sld [smem:$0x3FD9]  }
0x1: {  	s3 =	sld [smem:$0x3FFE];
	_ =	sdelay $0x1  }
0x2: {  	s1 =	srdreg.scid  }
0x3: {  	s0 =	sand.u32 $0x1, s1  }
0x4: {  	s18 =	sshll.u32 s0, $0xA;
	s2 =	sadd.s32 s3, s2  }
0x5: {  	s2 =	sadd.s32 s2, s18  }
0x6: {  	[smem:$0x3FC5] =	sst s2  }
0x7: {  	_ = 	snop  }
0x8: {  	(tm) =	ssettm $0x1  }
0x9: {  	s19 =	sld [smem:$0x3FFB];
	_ =	sdelay $0x3  }
0xa: {  	_ =	strace s19  }
0xb: {  	s2 =	sld [smem:$0x3FFC];
	_ =	sdelay $0x3  }
0xc: {  	_ =	strace s2  }
0xd: {  	s2 =	sld [smem:$0x3FFD];
	_ =	sdelay $0x3  }
0xe: {  	_ =	strace s2  }
0xf: {  	_ =	strace $0x8FFFFFFF  }
0x10: {  	s20 =	sld [smem:$0x3FDB];
	_ =	sdelay $0x1  }
0x11: {  	s21 =	simm.s32 $_scs_section_size  }
0x12: {  	s4 =	simm.s32 $_size__tile_overlayer_lowered;
	s5 =	simm.s32 $_tile_overlayer_lowered  }
0x13: {  	s6 =	simm.s32 $0x1BFF;
	s22 =	sshll.u32 s5, $0x1;
	s3 =	sadd.s32 s21, s20  }
0x14: {  	s23 =	simm.s32 $0x0;
	s4 =	sshll.u32 s4, $0x1;
	s5 =	sadd.s32 s22, s3  }
0x15: {  	[timem:s23], [sflag:s6] =	dma.local [hbm:s5], s4  }
0x16: {  	_ =	swait.ge [sflag:s6], s4  }
0x17: {  	s4 =	ssub.s32 $0x0, s4;
	[sflag:s6] =	ssyncset.done $0x0  }
0x18: {  	[sflag:s6] =	ssyncadd.s32 s4;
	_ =	sdelay $0x1  }
0x19: {  	s24 =	simm.s32 $0x1B8B  }
0x1a: {  	_ =	swait.ge [sflag:s24], $0x1  }
0x1b: {  	[sflag:s24] =	ssyncset.done $0x0  }
0x1c: {  	[sflag:s24] =	ssyncadd.s32 $0xFFFFFFFF  }
0x1d: {  	s4 =	sld [smem:$0x0]  }
0x1e: {  	s5 =	sand.u32 $0xFFFFFFFE, s1  }
0x1f: {  	p0 =	sne.s32 s1, s5  }
0x20: {  	s5 =	sshll.u32 @p0 s5, $0xE  }
0x21: {  	s5 =	sadd.s32 @p0 $0x11B8D, s5;
	s6 =	sshll.u32 @p0 s4, $0x11  }
0x22: {  	s5 =	sor.u32 @p0 s6, s5  }
0x23: {  	[sflag:s5] =	ssyncadd.remote.s32 @p0 $0x1;
	_ =	sdelay $0x1  }
0x24: {  	s5 =	simm.s32 @p0 $0x1B8D  }
0x25: {  	_ =	swait.eq @p0 [sflag:s5], $0x1  }
0x26: {  	[sflag:s5] =	ssyncadd.s32 @p0 $0xFFFFFFFF  }
0x27: {  	s6 =	sshll.u32 @!p0 s1, $0xE  }
0x28: {  	s6 =	sor.u32 @!p0 $0x4000, s6;
	s5 =	simm.s32 @!p0 $0x1B8D  }
0x29: {  	s4 =	sshll.u32 @!p0 s4, $0x11;
	s6 =	sadd.s32 @!p0 $0x11B8D, s6;
	_ =	swait.eq @!p0 [sflag:s5], $0x1  }
0x2a: {  	s4 =	sor.u32 @!p0 s4, s6;
	[sflag:s5] =	ssyncadd.s32 @!p0 $0xFFFFFFFF  }
0x2b: {  	s26 =	simm.s32 $0x1B8E;
	s25 =	sld [smem:$0x3FFE];
	[sflag:s4] =	ssyncadd.remote.s32 @!p0 $0x1  }
0x2c: {  	s27 =	simm.s32 $execute0_lowered;
	[smem:$0x3FD2] =	sst s26  }
0x2d: {  	s5 =	sshll.u32 s27, $0x1;
	_ =	strace $0x8000004F;
	[dreg:$0x1] =	wrdreg $0xFFFFFFFF  }
0x2e: {  	s28 =	simm.s32 $_size_execute0_lowered;
	s3 =	sadd.s32 s3, s5;
	[dreg:$0x0] =	wrdreg $0x0  }
0x2f: {  	s5 =	sshll.u32 s28, $0x1;
	[dreg:$0x2] =	wrdreg s3  }
0x30: {  	[dreg:$0x3] =	wrdreg s5  }
0x31: {  	[dreg:$0x4] =	wrdreg $0xC0  }
0x32: {  	_ =	task [dreg:s23], $0x5FFFF  }
0x33: {  	[dreg:$0x1] =	wrdreg $0xFFFFFFFF  }
0x34: {  	[dreg:$0x0] =	wrdreg $0x60  }
0x35: {  	[dreg:$0x2] =	wrdreg s25  }
0x36: {  	[dreg:$0x3] =	wrdreg $0x9  }
0x37: {  	_ =	task.clear_ibuf [dreg:s23], $0x4FFFF;
	_ =	strace $0x9000004F  }
0x38: {  	s29 =	simm.s32 $0x9;
	_ =	strace $0x80000051  }
0x39: {  	_ =	swait.ge [sflag:s29], $0x1  }
0x3a: {  	[sflag:s29] =	ssyncadd.s32 $0xFFFFFFFF  }
0x3b: {  	_ =	strace $0x90000051  }
0x3c: {  	_ =	sfence  }
0x3d: {  	s30 =	sld [smem:$0x0];
	_ =	sdelay $0x2  }
0x3e: {  	s31 =	sshll.u32 s1, $0xD;
	s1 =	sshrl.u32 s1, $0x2  }
0x3f: {  	s4 =	sand.u32 $0x4000, s31;
	s1 =	sadd.s32 s1, s30  }
0x40: {  	s0 =	sor.u32 s4, s0;
	s1 =	sshll.u32 s1, $0x11  }
0x41: {  	s0 =	sor.u32 s1, s0  }
0x42: {  	s0 =	sadd.s32 $0x8F2B, s0  }
0x43: {  	[sflag:s0] =	ssyncadd.remote.s32 $0x1  }
0x44: {  	_ =	sfence.sel $0xFFFF  }
0x45: {  	[dreg:$0x0] =	wrdreg $0xFFFFFFFF;
	(pc) =	sbr.abs _section_cstart, $3  }
0x46: {  	[dreg:$0x1] =	wrdreg $0xFFFFFFFF  }
0x47: {  	_ =	task.clear_ibuf [dreg:s23], $0x2FFFF;
	_ =	strace $0x9FFFFFFF  }
0x48: {  	(tm) =	ssettm $0x7FFFFFFF  }
0x49: {  	_ =	shalt  }
tec
execute0_lowered:
.L_overlay_start_1:
0x0: {  	(tag) =	ssettag $0x1  }
0x1: {  	s2 =	rddreg [dreg:$0x0]  }
0x2: {  	s0 =	rddreg [dreg:$0x1];
	_ =	strace $0x80000050;
	s4 =	srdreg.scid  }
0x3: {  	s1 =	stileid.u32;
	s6 =	simm.s32 $0x2;
	s11 =	simm.s32 $0x0  }
.Ltmp0:
0x4: {  	p0 =	por $0x0, $0x0;
	s7 =	simm.s32 $0x4000;
	(pc) =	sbr.rel .LBB1_1-.Ltmp0, $4  }
0x5: {  	s12 =	simm.s32 $0x0;
	s9 =	simm.s32 $0x0;
	s5 =	sshll.u32 s4, $0x4  }
0x6: {  	s8 =	simm.s32 $0x0;
	s4 =	simm.s32 $0x1;
	s5 =	sand.u32 $0x10, s5  }
0x7: {  	s3 =	sadd.s32 $0x841000, s2;
	[sflag:s4] =	ssyncpa.u1 $0x0;
	s5 =	sor.u32 s1, s5  }
0x8: {  	[sflag:s6] =	ssyncpa.u1 $0x0;
	s6 =	simm.s32 $0x800;
	s10 =	smov.u32 s5  }
.LBB1_7:
0x9: {  	s13 =	sadd.s32 $0x10, s9  }
0xa: {  	s11 =	sadd.s32 $0x20, s10;
	s15 =	smov.u32 s10;
	p2 =	sgt.s32 s13, $0x7F  }
0xb: {  	p1 =	slt.u32 s8, $0x2;
	s15 =	smov.u32 @p2 s11  }
0xc: {  	s8 =	sadd.s32 $0x1, s8;
	s13 =	simm.s32 @p2 $0x0;
	p2 =	sgt.s32 s15, $0xFF  }
0xd: {  	s15 =	smov.u32 @p2 s5;
	p2 =	sne.s32 s8, $0x42  }
.Ltmp1:
0xe: {  	_ = 	snop;
	(pc) =	sbr.rel @!p2 .LBB1_8-.Ltmp1, $4  }
0xf: {  	s14 =	simm.s32 @!p1 $0x2  }
0x10: {  	s12 =	smov.u32 s10;
	_ =	swait.ge @!p1 [sflag:s14], $0x4000  }
0x11: {  	p0 =	por !p0, !p0;
	s11 =	smov.u32 s9;
	[sflag:s14] =	ssyncset.done @!p1 $0x0  }
0x12: {  	s9 =	smov.u32 s13;
	[sflag:s14] =	ssyncadd.s32 @!p1 $0xFFFFC000;
	s10 =	smov.u32 s15  }
.LBB1_1:
0x13: {  	p1 =	sgt.u32 s8, $0x3F  }
0x14: {  	s13 =	sxor.u32 @!p1 $0xFFFFFFFF, s8;
	s14 =	sshll.u32 @!p1 s10, $0xE  }
0x15: {  	s15 =	sshll.u32 @!p1 s9, $0x7;
	s13 =	sshll.u32 @!p1 s13, $0xE;
	s14 =	sadd.s32 @!p1 s3, s14  }
0x16: {  	s13 =	sand.u32 @!p1 $0x4000, s13;
	s14 =	sadd.s32 @!p1 s15, s14;
	s15 =	simm.s32 @!p1 $0x0  }
0x17: {  	[tilespmem:s13], [sflag:$0x1] =	stream.linear.gather @!p1 [hbm4b:s14+s15], $0x4000, $0x38;
	[tilespmem:$0x10000] =	vst v63  }
0x18: {  	p1 =	seq.s32 s8, $0x0  }
0x19: {  	p2 =	seq.s32 @!p1 s8, $0x41  }
0x1a: {  	p1 =	por p1, p2  }
.Ltmp2:
0x1b: {  	_ = 	snop;
	(pc) =	sbr.rel @p1 .LBB1_7-.Ltmp2, $1  }
0x1c: {  	_ =	sdelay $0x3  }
0x1d: {  	s13 =	simm.s32 $0x1;
	_ =	swait.ge [sflag:s4], $0x4000;
	s16 =	sshll.u32 s8, $0xE  }
0x1e: {  	s13 =	simm.s32 @!p0 $0x0;
	[sflag:s4] =	ssyncset.done $0x0;
	s31 =	sand.u32 $0x4000, s16  }
0x1f: {  	s16 =	simm.s32 $0x0;
	s14 =	sshll.u32 s13, $0xE;
	[sflag:s4] =	ssyncadd.s32 $0xFFFFC000  }
0x20: {  	s13 =	sor.u32 $0x8040, s14;
	s15 =	sor.u32 $0x40, s14;
	s14 =	sor.u32 $0x8000, s31  }
.LBB1_3:
0x21: {  	v0 =	vmov s15;
	_ =	sdelay $0x3  }
0x22: {  	s18 =	simm.s32 $0x0  }
0x23: {  	v6 =	vld.idx.msk [tilespmem:v0+s18+$0x30 ss:$0x1], $0xffff  }
0x24: {  	v7 =	vld.idx.msk [tilespmem:v0+s18+$0xFFFFFFC0 ss:$0x1], $0xffff  }
0x25: {  	v5 =	vld.idx.msk [tilespmem:v0+s18+$0xFFFFFFD0 ss:$0x1], $0xffff  }
0x26: {  	v4 =	vld.idx.msk [tilespmem:v0+s18+$0xFFFFFFE0 ss:$0x1], $0xffff  }
0x27: {  	v3 =	vld.idx.msk [tilespmem:v0+s18+$0xFFFFFFF0 ss:$0x1], $0xffff  }
0x28: {  	v1 =	vld.idx.msk [tilespmem:v0+s18+$0x0 ss:$0x1], $0xffff  }
0x29: {  	v2 =	vld.idx.msk [tilespmem:v0+s18+$0x10 ss:$0x1], $0xffff;
	[tilespmem:s13+$0x30] =	vst v6  }
0x2a: {  	s17 =	simm.s32 $0x80;
	s19 =	simm.s32 $0x400;
	[tilespmem:s13+$0xFFFFFFC0] =	vst v7;
	v6 =	vld.idx.msk [tilespmem:v0+s18+$0x20 ss:$0x1], $0xffff;
	s18 =	smov.u32 s13  }
.LBB1_4:
0x2b: {  	p1 =	sne.s32 s19, $0xE00;
	v7 =	vld.idx.msk [tilespmem:v0+s17+$0x30 ss:$0x1], $0xffff;
	[tilespmem:s18+$0xFFFFFFD0] =	vst v5  }
0x2c: {  	v8 =	vld.idx.msk [tilespmem:v0+s17+$0xFFFFFFC0 ss:$0x1], $0xffff;
	[tilespmem:s18+$0xFFFFFFE0] =	vst v4  }
0x2d: {  	v5 =	vld.idx.msk [tilespmem:v0+s17+$0xFFFFFFD0 ss:$0x1], $0xffff;
	[tilespmem:s18+$0xFFFFFFF0] =	vst v3  }
.Ltmp3:
0x2e: {  	v4 =	vld.idx.msk [tilespmem:v0+s17+$0xFFFFFFE0 ss:$0x1], $0xffff;
	[tilespmem:s18+$0x0] =	vst v1;
	(pc) =	sbr.rel @p1 .LBB1_4-.Ltmp3, $4  }
0x2f: {  	v3 =	vld.idx.msk [tilespmem:v0+s17+$0xFFFFFFF0 ss:$0x1], $0xffff;
	[tilespmem:s18+$0x10] =	vst v2  }
0x30: {  	v1 =	vld.idx.msk [tilespmem:v0+s17+$0x0 ss:$0x1], $0xffff;
	[tilespmem:s18+$0x20] =	vst v6;
	s18 =	sadd.s32 $0x800, s18  }
0x31: {  	v2 =	vld.idx.msk [tilespmem:v0+s17+$0x10 ss:$0x1], $0xffff;
	[tilespmem:s18+$0x30] =	vst v7  }
0x32: {  	[tilespmem:s18+$0xFFFFFFC0] =	vst v8;
	v6 =	vld.idx.msk [tilespmem:v0+s17+$0x20 ss:$0x1], $0xffff;
	s17 =	sshra.s32 s19, $0x2;
	s19 =	sadd.s32 $0x200, s19  }
0x33: {  	_ =	sdelay $0x2  }
0x34: {  	[tilespmem:s18+$0xFFFFFFD0] =	vst v5  }
0x35: {  	v56 =	vld.idx.msk [tilespmem:v0+s17+$0x30 ss:$0x1], $0xffff;
	[tilespmem:s18+$0xFFFFFFE0] =	vst v4  }
0x36: {  	v57 =	vld.idx.msk [tilespmem:v0+s17+$0xFFFFFFC0 ss:$0x1], $0xffff;
	[tilespmem:s18+$0xFFFFFFF0] =	vst v3  }
0x37: {  	v58 =	vld.idx.msk [tilespmem:v0+s17+$0xFFFFFFD0 ss:$0x1], $0xffff;
	[tilespmem:s18+$0x0] =	vst v1  }
0x38: {  	v59 =	vld.idx.msk [tilespmem:v0+s17+$0xFFFFFFE0 ss:$0x1], $0xffff;
	[tilespmem:s18+$0x10] =	vst v2  }
0x39: {  	v60 =	vld.idx.msk [tilespmem:v0+s17+$0xFFFFFFF0 ss:$0x1], $0xffff;
	s31 =	sadd.s32 $0x800, s18;
	[tilespmem:s18+$0x20] =	vst v6  }
0x3a: {  	v61 =	vld.idx.msk [tilespmem:v0+s17+$0x0 ss:$0x1], $0xffff;
	[tilespmem:s31+$0x30] =	vst v56  }
0x3b: {  	v62 =	vld.idx.msk [tilespmem:v0+s17+$0x10 ss:$0x1], $0xffff;
	s16 =	sadd.s32 $0x1, s16;
	[tilespmem:s31+$0xFFFFFFC0] =	vst v57  }
0x3c: {  	v63 =	vld.idx.msk [tilespmem:v0+s17+$0x20 ss:$0x1], $0xffff;
	p1 =	sne.s32 s16, $0x10;
	[tilespmem:s31+$0xFFFFFFD0] =	vst v58  }
.Ltmp4:
0x3d: {  	[tilespmem:s31+$0xFFFFFFE0] =	vst v59;
	(pc) =	sbr.rel @p1 .LBB1_3-.Ltmp4, $4  }
0x3e: {  	[tilespmem:s31+$0xFFFFFFF0] =	vst v60  }
0x3f: {  	[tilespmem:s31+$0x0] =	vst v61  }
0x40: {  	[tilespmem:s31+$0x10] =	vst v62  }
0x41: {  	s13 =	sadd.s32 $0x80, s13;
	s15 =	sadd.s32 $0x400, s15;
	[tilespmem:s31+$0x20] =	vst v63  }
.Ltmp5:
0x42: {  	(pc) =	sbr.rel .LBB1_7-.Ltmp5, $4  }
0x43: {  	s12 =	sshll.u32 s12, $0xE;
	s11 =	sshll.u32 s11, $0x4  }
0x44: {  	s11 =	sand.u32 $0x7F0, s11;
	s12 =	sadd.s32 s2, s12  }
0x45: {  	s11 =	sadd.s32 s11, s12  }
0x46: {  	[hbm4b:s11+s6] =	stream.strided.scatter [tilespmem:s14], [sflag:$0x2], $0x4000, s7, s6, $0x38;
	[tilespmem:$0x10000] =	vst v63  }
.LBB1_8:
0x47: {  	_ =	sfence.sel $0x180000  }
0x48: {  	s2 =	simm.s32 $0x1;
	[bflag:$0x0] =	sbarrier.arrive $0xFFFF  }
0x49: {  	s31 =	simm.s32 $0x2;
	[sflag:s2] =	ssyncpa.u1 $0x1  }
0x4a: {  	[sflag:s31] =	ssyncpa.u1 $0x1  }
0x4b: {  	p0 =	sne.s32 s1, $0x0;
	_ =	strace $0x90000050  }
0x4c: {  	s0 =	sadd.s32 @!p0 $0x100000, s0;
	[bflag:$0x2] =	sbarrier.arrive $0xFFFF  }
0x4d: {  	[sflag:s0] =	ssyncadd.tile.s32 @!p0 $0x1;
	_ =	shalt  }
.Lfunc_end1:
_tile_overlayer_lowered:
.L_overlay_start_2:
0x4e: {  	(tag) =	ssettag $0x2  }
0x4f: {  	s0 =	rddreg [dreg:$0x0];
	s2 =	stileid.u32  }
0x50: {  	s1 =	rddreg [dreg:$0x1];
	p0 =	sne.s32 s2, $0x0  }
0x51: {  	s3 =	rddreg [dreg:$0x2];
	[bflag:$0x3] =	sbarrier.arrive $0xFFFF;
	s2 =	simm.s32 @!p0 $0x1C01  }
0x52: {  	[timem:s3], [sflag:s2] =	dma.local @!p0 [hbm:s0], s1  }
0x53: {  	s0 =	simm.s32 @!p0 $0x1  }
0x54: {  	_ =	swait.ge @!p0 [sflag:s0], s1  }
0x55: {  	s1 =	ssub.s32 @!p0 $0x0, s1;
	[sflag:s0] =	ssyncset.done @!p0 $0x0  }
0x56: {  	[sflag:s0] =	ssyncadd.s32 @!p0 s1  }
0x57: {  	[bflag:$0x3] =	sbarrier.arrive $0xFFFF  }
0x58: {  	_ =	shalt  }

// kernel: sparse-core-data-format-call.cloned.1.call-start
scs
called_computation.1_lowered:
.L_overlay_start_0:
0x0: {  	s1 =	sld [smem:$0x3FD9]  }
0x1: {  	s2 =	sld [smem:$0x3FFE];
	_ =	sdelay $0x1  }
0x2: {  	s3 =	srdreg.scid  }
0x3: {  	s0 =	sand.u32 $0x1, s3  }
0x4: {  	s17 =	sshll.u32 s0, $0xA;
	s1 =	sadd.s32 s2, s1  }
0x5: {  	s1 =	sadd.s32 s1, s17  }
0x6: {  	[smem:$0x3FC5] =	sst s1  }
0x7: {  	_ = 	snop  }
0x8: {  	(tm) =	ssettm $0x1  }
0x9: {  	s18 =	sld [smem:$0x3FFB];
	_ =	sdelay $0x3  }
0xa: {  	_ =	strace s18  }
0xb: {  	s1 =	sld [smem:$0x3FFC];
	_ =	sdelay $0x3  }
0xc: {  	_ =	strace s1  }
0xd: {  	s1 =	sld [smem:$0x3FFD];
	_ =	sdelay $0x3  }
0xe: {  	_ =	strace s1  }
0xf: {  	_ =	strace $0x8FFFFFFF  }
0x10: {  	s19 =	sld [smem:$0x3FDB];
	_ =	sdelay $0x1  }
0x11: {  	s20 =	simm.s32 $_scs_section_size  }
0x12: {  	s4 =	simm.s32 $_size__tile_overlayer_lowered;
	s5 =	simm.s32 $_tile_overlayer_lowered  }
0x13: {  	s23 =	simm.s32 $0x1BFF;
	s22 =	sshll.u32 s5, $0x1;
	s1 =	sadd.s32 s20, s19  }
0x14: {  	s6 =	simm.s32 $0x0;
	s21 =	sshll.u32 s4, $0x1;
	s4 =	sadd.s32 s22, s1  }
0x15: {  	[timem:s6], [sflag:s23] =	dma.local [hbm:s4], s21  }
0x16: {  	_ =	swait.ge [sflag:s23], s21  }
0x17: {  	s2 =	ssub.s32 $0x0, s21;
	[sflag:s23] =	ssyncset.done $0x0  }
0x18: {  	[sflag:s23] =	ssyncadd.s32 s2;
	_ =	sdelay $0x1  }
0x19: {  	s24 =	simm.s32 $0x1B8B  }
0x1a: {  	_ =	swait.ge [sflag:s24], $0x1  }
0x1b: {  	[sflag:s24] =	ssyncset.done $0x0  }
0x1c: {  	s26 =	simm.s32 $0x1B8E;
	s25 =	sld [smem:$0x3FFE];
	[sflag:s24] =	ssyncadd.s32 $0xFFFFFFFF  }
0x1d: {  	s27 =	simm.s32 $execute0_lowered;
	[smem:$0x3FD2] =	sst s26  }
0x1e: {  	s4 =	sshll.u32 s27, $0x1;
	_ =	strace $0x80000049;
	[dreg:$0x1] =	wrdreg $0xFFFFFFFF  }
0x1f: {  	s28 =	simm.s32 $_size_execute0_lowered;
	s1 =	sadd.s32 s1, s4;
	[dreg:$0x0] =	wrdreg $0x0  }
0x20: {  	s4 =	sshll.u32 s28, $0x1;
	[dreg:$0x2] =	wrdreg s1  }
0x21: {  	[dreg:$0x3] =	wrdreg s4  }
0x22: {  	[dreg:$0x4] =	wrdreg $0xC0  }
0x23: {  	_ =	task [dreg:s6], $0x5FFFF  }
0x24: {  	[dreg:$0x1] =	wrdreg $0xFFFFFFFF  }
0x25: {  	[dreg:$0x0] =	wrdreg $0x60  }
0x26: {  	[dreg:$0x2] =	wrdreg s25  }
0x27: {  	[dreg:$0x3] =	wrdreg $0x9  }
0x28: {  	_ =	task.clear_ibuf [dreg:s6], $0x4FFFF;
	_ =	strace $0x90000049  }
0x29: {  	s29 =	simm.s32 $0x9;
	_ =	strace $0x8000004B  }
0x2a: {  	_ =	swait.ge [sflag:s29], $0x1  }
0x2b: {  	[sflag:s29] =	ssyncadd.s32 $0xFFFFFFFF  }
0x2c: {  	_ =	strace $0x9000004B  }
0x2d: {  	_ =	sfence  }
0x2e: {  	s30 =	sld [smem:$0x0];
	_ =	sdelay $0x2  }
0x2f: {  	s31 =	sshll.u32 s3, $0xD;
	s3 =	sshrl.u32 s3, $0x2  }
0x30: {  	s2 =	sand.u32 $0x4000, s31;
	s1 =	sadd.s32 s3, s30  }
0x31: {  	s0 =	sor.u32 s2, s0;
	s1 =	sshll.u32 s1, $0x11  }
0x32: {  	s0 =	sor.u32 s1, s0  }
0x33: {  	s0 =	sadd.s32 $0x8F2B, s0  }
0x34: {  	[sflag:s0] =	ssyncadd.remote.s32 $0x1  }
0x35: {  	_ =	sfence.sel $0xFFFF  }
0x36: {  	[dreg:$0x0] =	wrdreg $0xFFFFFFFF;
	(pc) =	sbr.abs _section_cstart, $3  }
0x37: {  	[dreg:$0x1] =	wrdreg $0xFFFFFFFF  }
0x38: {  	_ =	task.clear_ibuf [dreg:s6], $0x2FFFF;
	_ =	strace $0x9FFFFFFF  }
0x39: {  	(tm) =	ssettm $0x7FFFFFFF  }
tec
execute0_lowered:
.L_overlay_start_1:
0x0: {  	(tag) =	ssettag $0x1  }
0x1: {  	s2 =	rddreg [dreg:$0x0]  }
0x2: {  	s0 =	rddreg [dreg:$0x1];
	_ =	strace $0x8000004A;
	s4 =	srdreg.scid  }
0x3: {  	s1 =	stileid.u32;
	s6 =	simm.s32 $0x2;
	s11 =	simm.s32 $0x0  }
.Ltmp0:
0x4: {  	p0 =	por $0x0, $0x0;
	s7 =	simm.s32 $0x4000;
	(pc) =	sbr.rel .LBB1_1-.Ltmp0, $4  }
0x5: {  	s12 =	simm.s32 $0x0;
	s9 =	simm.s32 $0x0;
	s5 =	sshll.u32 s4, $0x4  }
0x6: {  	s8 =	simm.s32 $0x0;
	s4 =	simm.s32 $0x1;
	s5 =	sand.u32 $0x10, s5  }
0x7: {  	s3 =	sadd.s32 $0x414000, s2;
	[sflag:s4] =	ssyncpa.u1 $0x0;
	s5 =	sor.u32 s1, s5  }
0x8: {  	[sflag:s6] =	ssyncpa.u1 $0x0;
	s6 =	simm.s32 $0x800;
	s10 =	smov.u32 s5  }
.LBB1_7:
0x9: {  	s13 =	sadd.s32 $0x10, s9  }
0xa: {  	s11 =	sadd.s32 $0x20, s10;
	s15 =	smov.u32 s10;
	p2 =	sgt.s32 s13, $0x7F  }
0xb: {  	p1 =	slt.u32 s8, $0x2;
	s15 =	smov.u32 @p2 s11  }
0xc: {  	s8 =	sadd.s32 $0x1, s8;
	s13 =	simm.s32 @p2 $0x0;
	p2 =	sgt.s32 s15, $0xFF  }
0xd: {  	s15 =	smov.u32 @p2 s5;
	p2 =	sne.s32 s8, $0x42  }
.Ltmp1:
0xe: {  	_ = 	snop;
	(pc) =	sbr.rel @!p2 .LBB1_8-.Ltmp1, $4  }
0xf: {  	s14 =	simm.s32 @!p1 $0x2  }
0x10: {  	s12 =	smov.u32 s10;
	_ =	swait.ge @!p1 [sflag:s14], $0x4000  }
0x11: {  	p0 =	por !p0, !p0;
	s11 =	smov.u32 s9;
	[sflag:s14] =	ssyncset.done @!p1 $0x0  }
0x12: {  	s9 =	smov.u32 s13;
	[sflag:s14] =	ssyncadd.s32 @!p1 $0xFFFFC000;
	s10 =	smov.u32 s15  }
.LBB1_1:
0x13: {  	p1 =	sgt.u32 s8, $0x3F  }
0x14: {  	s13 =	sxor.u32 @!p1 $0xFFFFFFFF, s8;
	s14 =	sshll.u32 @!p1 s10, $0xE  }
0x15: {  	s15 =	sshll.u32 @!p1 s9, $0x7;
	s13 =	sshll.u32 @!p1 s13, $0xE;
	s14 =	sadd.s32 @!p1 s2, s14  }
0x16: {  	s13 =	sand.u32 @!p1 $0x4000, s13;
	s14 =	sadd.s32 @!p1 s15, s14;
	s15 =	simm.s32 @!p1 $0x0  }
0x17: {  	[tilespmem:s13], [sflag:$0x1] =	stream.linear.gather @!p1 [hbm4b:s14+s15], $0x4000, $0x38;
	[tilespmem:$0x10000] =	vst v63  }
0x18: {  	p1 =	seq.s32 s8, $0x0  }
0x19: {  	p2 =	seq.s32 @!p1 s8, $0x41  }
0x1a: {  	p1 =	por p1, p2  }
.Ltmp2:
0x1b: {  	_ = 	snop;
	(pc) =	sbr.rel @p1 .LBB1_7-.Ltmp2, $1  }
0x1c: {  	_ =	sdelay $0x3  }
0x1d: {  	s13 =	simm.s32 $0x1;
	_ =	swait.ge [sflag:s4], $0x4000;
	s16 =	sshll.u32 s8, $0xE  }
0x1e: {  	s13 =	simm.s32 @!p0 $0x0;
	[sflag:s4] =	ssyncset.done $0x0;
	s31 =	sand.u32 $0x4000, s16  }
0x1f: {  	s16 =	simm.s32 $0x0;
	s14 =	sshll.u32 s13, $0xE;
	[sflag:s4] =	ssyncadd.s32 $0xFFFFC000  }
0x20: {  	s13 =	sor.u32 $0x8040, s14;
	s15 =	sor.u32 $0x40, s14;
	s14 =	sor.u32 $0x8000, s31  }
.LBB1_3:
0x21: {  	v0 =	vmov s15;
	_ =	sdelay $0x3  }
0x22: {  	s18 =	simm.s32 $0x0  }
0x23: {  	v6 =	vld.idx.msk [tilespmem:v0+s18+$0x30 ss:$0x1], $0xffff  }
0x24: {  	v7 =	vld.idx.msk [tilespmem:v0+s18+$0xFFFFFFC0 ss:$0x1], $0xffff  }
0x25: {  	v5 =	vld.idx.msk [tilespmem:v0+s18+$0xFFFFFFD0 ss:$0x1], $0xffff  }
0x26: {  	v4 =	vld.idx.msk [tilespmem:v0+s18+$0xFFFFFFE0 ss:$0x1], $0xffff  }
0x27: {  	v3 =	vld.idx.msk [tilespmem:v0+s18+$0xFFFFFFF0 ss:$0x1], $0xffff  }
0x28: {  	v1 =	vld.idx.msk [tilespmem:v0+s18+$0x0 ss:$0x1], $0xffff  }
0x29: {  	v2 =	vld.idx.msk [tilespmem:v0+s18+$0x10 ss:$0x1], $0xffff;
	[tilespmem:s13+$0x30] =	vst v6  }
0x2a: {  	s17 =	simm.s32 $0x80;
	s19 =	simm.s32 $0x400;
	[tilespmem:s13+$0xFFFFFFC0] =	vst v7;
	v6 =	vld.idx.msk [tilespmem:v0+s18+$0x20 ss:$0x1], $0xffff;
	s18 =	smov.u32 s13  }
.LBB1_4:
0x2b: {  	p1 =	sne.s32 s19, $0xE00;
	v7 =	vld.idx.msk [tilespmem:v0+s17+$0x30 ss:$0x1], $0xffff;
	[tilespmem:s18+$0xFFFFFFD0] =	vst v5  }
0x2c: {  	v8 =	vld.idx.msk [tilespmem:v0+s17+$0xFFFFFFC0 ss:$0x1], $0xffff;
	[tilespmem:s18+$0xFFFFFFE0] =	vst v4  }
0x2d: {  	v5 =	vld.idx.msk [tilespmem:v0+s17+$0xFFFFFFD0 ss:$0x1], $0xffff;
	[tilespmem:s18+$0xFFFFFFF0] =	vst v3  }
.Ltmp3:
0x2e: {  	v4 =	vld.idx.msk [tilespmem:v0+s17+$0xFFFFFFE0 ss:$0x1], $0xffff;
	[tilespmem:s18+$0x0] =	vst v1;
	(pc) =	sbr.rel @p1 .LBB1_4-.Ltmp3, $4  }
0x2f: {  	v3 =	vld.idx.msk [tilespmem:v0+s17+$0xFFFFFFF0 ss:$0x1], $0xffff;
	[tilespmem:s18+$0x10] =	vst v2  }
0x30: {  	v1 =	vld.idx.msk [tilespmem:v0+s17+$0x0 ss:$0x1], $0xffff;
	[tilespmem:s18+$0x20] =	vst v6;
	s18 =	sadd.s32 $0x800, s18  }
0x31: {  	v2 =	vld.idx.msk [tilespmem:v0+s17+$0x10 ss:$0x1], $0xffff;
	[tilespmem:s18+$0x30] =	vst v7  }
0x32: {  	[tilespmem:s18+$0xFFFFFFC0] =	vst v8;
	v6 =	vld.idx.msk [tilespmem:v0+s17+$0x20 ss:$0x1], $0xffff;
	s17 =	sshra.s32 s19, $0x2;
	s19 =	sadd.s32 $0x200, s19  }
0x33: {  	_ =	sdelay $0x2  }
0x34: {  	[tilespmem:s18+$0xFFFFFFD0] =	vst v5  }
0x35: {  	v56 =	vld.idx.msk [tilespmem:v0+s17+$0x30 ss:$0x1], $0xffff;
	[tilespmem:s18+$0xFFFFFFE0] =	vst v4  }
0x36: {  	v57 =	vld.idx.msk [tilespmem:v0+s17+$0xFFFFFFC0 ss:$0x1], $0xffff;
	[tilespmem:s18+$0xFFFFFFF0] =	vst v3  }
0x37: {  	v58 =	vld.idx.msk [tilespmem:v0+s17+$0xFFFFFFD0 ss:$0x1], $0xffff;
	[tilespmem:s18+$0x0] =	vst v1  }
0x38: {  	v59 =	vld.idx.msk [tilespmem:v0+s17+$0xFFFFFFE0 ss:$0x1], $0xffff;
	[tilespmem:s18+$0x10] =	vst v2  }
0x39: {  	v60 =	vld.idx.msk [tilespmem:v0+s17+$0xFFFFFFF0 ss:$0x1], $0xffff;
	s31 =	sadd.s32 $0x800, s18;
	[tilespmem:s18+$0x20] =	vst v6  }
0x3a: {  	v61 =	vld.idx.msk [tilespmem:v0+s17+$0x0 ss:$0x1], $0xffff;
	[tilespmem:s31+$0x30] =	vst v56  }
0x3b: {  	v62 =	vld.idx.msk [tilespmem:v0+s17+$0x10 ss:$0x1], $0xffff;
	s16 =	sadd.s32 $0x1, s16;
	[tilespmem:s31+$0xFFFFFFC0] =	vst v57  }
0x3c: {  	v63 =	vld.idx.msk [tilespmem:v0+s17+$0x20 ss:$0x1], $0xffff;
	p1 =	sne.s32 s16, $0x10;
	[tilespmem:s31+$0xFFFFFFD0] =	vst v58  }
.Ltmp4:
0x3d: {  	[tilespmem:s31+$0xFFFFFFE0] =	vst v59;
	(pc) =	sbr.rel @p1 .LBB1_3-.Ltmp4, $4  }
0x3e: {  	[tilespmem:s31+$0xFFFFFFF0] =	vst v60  }
0x3f: {  	[tilespmem:s31+$0x0] =	vst v61  }
0x40: {  	[tilespmem:s31+$0x10] =	vst v62  }
0x41: {  	s13 =	sadd.s32 $0x80, s13;
	s15 =	sadd.s32 $0x400, s15;
	[tilespmem:s31+$0x20] =	vst v63  }
.Ltmp5:
0x42: {  	(pc) =	sbr.rel .LBB1_7-.Ltmp5, $4  }
0x43: {  	s12 =	sshll.u32 s12, $0xE;
	s11 =	sshll.u32 s11, $0x4  }
0x44: {  	s11 =	sand.u32 $0x7F0, s11;
	s12 =	sadd.s32 s3, s12  }
0x45: {  	s11 =	sadd.s32 s11, s12  }
0x46: {  	[hbm4b:s11+s6] =	stream.strided.scatter [tilespmem:s14], [sflag:$0x2], $0x4000, s7, s6, $0x38;
	[tilespmem:$0x10000] =	vst v63  }
.LBB1_8:
0x47: {  	_ =	sfence.sel $0x180000  }
0x48: {  	s2 =	simm.s32 $0x1;
	[bflag:$0x0] =	sbarrier.arrive $0xFFFF  }
0x49: {  	s31 =	simm.s32 $0x2;
	[sflag:s2] =	ssyncpa.u1 $0x1  }
0x4a: {  	[sflag:s31] =	ssyncpa.u1 $0x1  }
0x4b: {  	p0 =	sne.s32 s1, $0x0;
	_ =	strace $0x9000004A  }
0x4c: {  	s0 =	sadd.s32 @!p0 $0x100000, s0;
	[bflag:$0x2] =	sbarrier.arrive $0xFFFF  }
0x4d: {  	[sflag:s0] =	ssyncadd.tile.s32 @!p0 $0x1;
	_ =	shalt  }
.Lfunc_end1:
_tile_overlayer_lowered:
.L_overlay_start_2:
0x4e: {  	(tag) =	ssettag $0x2  }
0x4f: {  	s0 =	rddreg [dreg:$0x0];
	s2 =	stileid.u32  }
0x50: {  	s1 =	rddreg [dreg:$0x1];
	p0 =	sne.s32 s2, $0x0  }
0x51: {  	s3 =	rddreg [dreg:$0x2];
	[bflag:$0x3] =	sbarrier.arrive $0xFFFF;
	s2 =	simm.s32 @!p0 $0x1C01  }
0x52: {  	[timem:s3], [sflag:s2] =	dma.local @!p0 [hbm:s0], s1  }
0x53: {  	s0 =	simm.s32 @!p0 $0x1  }
0x54: {  	_ =	swait.ge @!p0 [sflag:s0], s1  }
0x55: {  	s1 =	ssub.s32 @!p0 $0x0, s1;
	[sflag:s0] =	ssyncset.done @!p0 $0x0  }
0x56: {  	[sflag:s0] =	ssyncadd.s32 @!p0 s1  }
0x57: {  	[bflag:$0x3] =	sbarrier.arrive $0xFFFF  }
0x58: {  	_ =	shalt  }

</sc_bundles>
